<compile_context>
chip_gen: v7x
topology: tpu7x:2x2x1
jax: 0.10.2.dev20260603
libtpu: 0.0.44.dev20260713+nightly
codegen_flags: <defaults>
</compile_context>

<pallas_src>
import functools
import math

import jax
import jax.numpy as jnp
from jax import lax
from jax.experimental import pallas as pl
from jax.experimental.pallas import tpu as pltpu
from jax.experimental.pallas import tpu_sc as plsc

N = 10000
E = 320000
HID = 128
K = 512
HEADS = 4
DH = HID // HEADS
SCALE = 1.0 / math.sqrt(DH)

NC = 2
NS = 16
CH = 128
NCH = 80
PW = CH * NCH
EPAD = NC * NS * PW
NPAD = 10240
RPT = NPAD // NS

RB = 1000
GRID = N // RB




NB = 2


def _sc_deg_body(dst2, zr, on, deg_out, dall, onesb, dacc):
    cid = lax.axis_index("c")
    sid = lax.axis_index("s")
    row0 = sid * RPT
    pltpu.sync_copy(zr, dacc.at[pl.ds(row0, RPT)])
    pltpu.sync_copy(on, onesb)
    gbase = (cid * NS + sid) * NCH
    pltpu.sync_copy(dst2.at[pl.ds(gbase, NCH)], dall)
    plsc.subcore_barrier()

    def step(c, carry):
        pltpu.sync_copy(onesb, dacc.at[dall.at[c]], add=True)
        return carry

    lax.fori_loop(0, NCH, step, 0)
    plsc.subcore_barrier()
    obase = cid * NPAD + row0
    pltpu.sync_copy(dacc.at[pl.ds(row0, RPT)], deg_out.at[pl.ds(obase, RPT)])


SCH = 8
HEAVY = 152
LIGHT = 2 * NCH - HEAVY


def _sc_edge_body(hn, src2, dst2, zr, sum_out, sall, dall, rows0, rows1,
                  acc, sem0, sem1):
    cid = lax.axis_index("c")
    sid = lax.axis_index("s")
    row0 = sid * RPT
    pltpu.sync_copy(zr, acc.at[pl.ds(row0, RPT)])
    n_my = jnp.where(cid == 0, HEAVY, LIGHT)
    gbase = jnp.where(cid == 0, sid * HEAVY, NS * HEAVY + sid * LIGHT)
    plsc.subcore_barrier()
    rows = (rows0, rows1)
    sems = (sem0, sem1)

    def souter(s, carry):
        sb = gbase + s * SCH
        pltpu.sync_copy(src2.at[pl.ds(sb, SCH)], sall)
        pltpu.sync_copy(dst2.at[pl.ds(sb, SCH)], dall)
        for b in range(NB):
            pltpu.async_copy(hn.at[sall.at[b]], rows[b], sems[b])

        def gstep(g, c2):
            c0 = g * NB
            for b in range(NB):
                cc = c0 + b
                pltpu.make_async_copy(hn.at[sall.at[cc]], rows[b],
                                      sems[b]).wait()
                pltpu.sync_copy(rows[b], acc.at[dall.at[cc]], add=True)

                @pl.when(cc + NB < SCH)
                def _issue(cc=cc, b=b):
                    pltpu.async_copy(hn.at[sall.at[cc + NB]], rows[b], sems[b])
            return c2

        lax.fori_loop(0, SCH // NB, gstep, 0)
        return carry

    lax.fori_loop(0, n_my // SCH, souter, 0)
    plsc.subcore_barrier()
    obase = cid * NPAD + row0
    pltpu.sync_copy(acc.at[pl.ds(row0, RPT)], sum_out.at[pl.ds(obase, RPT)])


@functools.lru_cache(maxsize=None)
def _get_sc_kernels():
    mesh = plsc.VectorSubcoreMesh(core_axis_name="c", subcore_axis_name="s")
    sc_deg = pl.kernel(
        _sc_deg_body,
        out_type=jax.ShapeDtypeStruct((NC * NPAD, HID), jnp.float32),
        mesh=mesh,
        scratch_types=[
            pltpu.VMEM((NCH, CH), jnp.int32),
            pltpu.VMEM((CH, HID), jnp.float32),
            pltpu.VMEM_SHARED((NPAD, HID), jnp.float32),
        ],
    )
    sc_edge = pl.kernel(
        _sc_edge_body,
        out_type=jax.ShapeDtypeStruct((NC * NPAD, HID), jnp.float32),
        mesh=mesh,
        scratch_types=[
            pltpu.VMEM((SCH, CH), jnp.int32),
            pltpu.VMEM((SCH, CH), jnp.int32),
            pltpu.VMEM((CH, HID), jnp.float32),
            pltpu.VMEM((CH, HID), jnp.float32),
            pltpu.VMEM_SHARED((NPAD, HID), jnp.float32),
            pltpu.SemaphoreType.DMA,
            pltpu.SemaphoreType.DMA,
        ],
    )
    return sc_deg, sc_edge



def _relu_ln(h, g, b):
    mu = jnp.mean(h, axis=-1, keepdims=True)
    var = jnp.mean((h - mu) ** 2, axis=-1, keepdims=True)
    return jax.nn.relu((h - mu) / jnp.sqrt(var + 1e-5) * g + b)


def _pre_body(x_ref, w1_ref, b1_ref, g_ref, bb_ref, wp_ref, bp_ref,
              wq_ref, bq_ref, hn_ref, q_ref):
    x = x_ref[...]
    h = jnp.dot(x, w1_ref[...], preferred_element_type=jnp.float32) + b1_ref[...]
    hn_ref[...] = _relu_ln(h, g_ref[...], bb_ref[...])
    qx = jnp.dot(x, wp_ref[...], preferred_element_type=jnp.float32) + bp_ref[...]
    q_ref[...] = jnp.dot(qx, wq_ref[...], preferred_element_type=jnp.float32) + bq_ref[...]


def _comm_body(ntc_ref, x_ref, sa_ref):
    i = pl.program_id(0)

    @pl.when(i == 0)
    def _init():
        sa_ref[...] = jnp.zeros_like(sa_ref)

    ntc = ntc_ref[0, 0, :]
    onehot_t = (lax.broadcasted_iota(jnp.int32, (K, RB), 0)
                == ntc[None, :]).astype(jnp.float32)
    xa = jnp.concatenate([x_ref[...], jnp.ones((RB, HID), jnp.float32)],
                         axis=-1)
    sa_ref[...] += jnp.dot(onehot_t, xa, preferred_element_type=jnp.float32)


def _combine_body(s0_ref, s1_ref, d0_ref, d1_ref, hn_ref, wl_ref, bl_ref,
                  wr_ref, g_ref, bb_ref, out_ref):
    deg = jnp.clip(d0_ref[...][:, 0:1] + d1_ref[...][:, 0:1], 1.0, None)
    agg = (s0_ref[...] + s1_ref[...]) / deg
    hn = hn_ref[...]
    h = (jnp.dot(agg, wl_ref[...], preferred_element_type=jnp.float32)
         + bl_ref[...]
         + jnp.dot(hn, wr_ref[...], preferred_element_type=jnp.float32))
    out_ref[...] = _relu_ln(h, g_ref[...], bb_ref[...])


def _attn_body(s0_ref, s1_ref, d0_ref, d1_ref, hn_ref, wl_ref, bl_ref,
               wr_ref, g_ref, bb_ref,
               q_ref, dm_ref, sa_ref, wk_ref, bk_ref, wv_ref, bv_ref,
               w2_ref, b2_ref, wd_ref, bd_ref, out_ref):
    deg = jnp.clip(d0_ref[...][:, 0:1] + d1_ref[...][:, 0:1], 1.0, None)
    agg = (s0_ref[...] + s1_ref[...]) / deg
    hcomb = (jnp.dot(agg, wl_ref[...], preferred_element_type=jnp.float32)
             + bl_ref[...]
             + jnp.dot(hn_ref[...], wr_ref[...],
                       preferred_element_type=jnp.float32))
    hfin = _relu_ln(hcomb, g_ref[...], bb_ref[...])
    sa = sa_ref[...]
    cnt = sa[:, HID:HID + 1]
    avg = sa[:, :HID] / jnp.clip(cnt, 1.0, None)
    km = jnp.dot(avg, wk_ref[...], preferred_element_type=jnp.float32) + bk_ref[...]
    vm = jnp.dot(avg, wv_ref[...], preferred_element_type=jnp.float32) + bv_ref[...]
    lc = jnp.log(cnt)
    dmf = dm_ref[...].astype(jnp.float32) * wd_ref[0, 0] + bd_ref[0, 0]
    w2 = w2_ref[...]
    acc = (jnp.dot(hfin, w2[:HID, :], preferred_element_type=jnp.float32)
           + b2_ref[...])
    qs = q_ref[...] * SCALE
    ones_col = jnp.ones((RB, 1), jnp.float32)
    for h in range(HEADS):
        c0 = h * DH
        qh = jnp.concatenate([qs[:, c0:c0 + DH], ones_col], axis=1)
        kh = jnp.concatenate([km[:, c0:c0 + DH], lc], axis=1)
        dots = lax.dot_general(qh, kh, (((1,), (1,)), ((), ())),
                               preferred_element_type=jnp.float32) + dmf
        m = jnp.max(dots, axis=-1, keepdims=True)
        e = jnp.exp(dots - m)
        p = e / jnp.sum(e, axis=-1, keepdims=True)
        oh = jnp.dot(p, vm[:, c0:c0 + DH], preferred_element_type=jnp.float32)
        acc += jnp.dot(oh, w2[HID + c0:HID + c0 + DH, :],
                       preferred_element_type=jnp.float32)
    out_ref[...] = acc


def _row_spec():
    return pl.BlockSpec((RB, HID), lambda i: (i, 0))


def _const_spec(shape):
    return pl.BlockSpec(shape, lambda i: tuple(0 for _ in shape))


def _pre_call(x, w1, b1, g, b, wp, bp, wq, bq):
    return pl.pallas_call(
        _pre_body,
        grid=(GRID,),
        in_specs=[_row_spec()] + [_const_spec(a.shape)
                                  for a in (w1, b1, g, b, wp, bp, wq, bq)],
        out_specs=[_row_spec(), _row_spec()],
        out_shape=[jax.ShapeDtypeStruct((N, HID), jnp.float32)] * 2,
    )(x, w1, b1, g, b, wp, bp, wq, bq)


def _comm_call(ntc3, x):
    return pl.pallas_call(
        _comm_body,
        grid=(GRID,),
        in_specs=[pl.BlockSpec((1, 1, RB), lambda i: (i, 0, 0)), _row_spec()],
        out_specs=_const_spec((K, 2 * HID)),
        out_shape=jax.ShapeDtypeStruct((K, 2 * HID), jnp.float32),
    )(ntc3, x)


def _combine_call(s0, s1, d0, d1, hn, wl, bl, wr, g, b):
    return pl.pallas_call(
        _combine_body,
        grid=(GRID,),
        in_specs=[_row_spec(), _row_spec(),
                  pl.BlockSpec((RB, 16), lambda i: (i, 0)),
                  pl.BlockSpec((RB, 16), lambda i: (i, 0)),
                  _row_spec()] + [_const_spec(a.shape)
                                  for a in (wl, bl, wr, g, b)],
        out_specs=_row_spec(),
        out_shape=jax.ShapeDtypeStruct((N, HID), jnp.float32),
    )(s0, s1, d0, d1, hn, wl, bl, wr, g, b)


def _attn_call(s0, s1, d0, d1, hn, wl, bl, wr, g, b,
               q, dm, sa, wk, bk, wv, bv, w2, b2, wd, bd):
    return pl.pallas_call(
        _attn_body,
        grid=(GRID,),
        in_specs=[_row_spec(), _row_spec(),
                  pl.BlockSpec((RB, 16), lambda i: (i, 0)),
                  pl.BlockSpec((RB, 16), lambda i: (i, 0)),
                  _row_spec()]
                 + [_const_spec(a.shape) for a in (wl, bl, wr, g, b)]
                 + [_row_spec(), pl.BlockSpec((RB, K), lambda i: (i, 0))]
                 + [_const_spec(a.shape)
                    for a in (sa, wk, bk, wv, bv, w2, b2, wd, bd)],
        out_specs=_row_spec(),
        out_shape=jax.ShapeDtypeStruct((N, HID), jnp.float32),
    )(s0, s1, d0, d1, hn, wl, bl, wr, g, b,
      q, dm, sa, wk, bk, wv, bv, w2, b2, wd, bd)



def kernel(x, edge_index, distance_matrix, nodes_to_community_tensor, W1, b1,
           conv_gamma, conv_beta, Wl, bl, Wr, gamma, beta, Wp, bp, Wq, bq, Wk,
           bk, Wv, bv, w_dis, b_dis, W2, b2):
    r = lambda v: v.reshape(1, -1)
    pad = EPAD - E
    src_p = jnp.concatenate([edge_index[0], jnp.zeros((pad,), jnp.int32)])
    dst_p = jnp.concatenate([edge_index[1], jnp.full((pad,), N, jnp.int32)])
    src_p = src_p.reshape(EPAD // CH, CH)
    dst_p = dst_p.reshape(EPAD // CH, CH)
    zr = jnp.zeros((RPT, HID), jnp.float32)
    on = jnp.ones((CH, HID), jnp.float32)

    sc_deg, sc_edge = _get_sc_kernels()

    ntc3 = nodes_to_community_tensor.reshape(GRID, 1, RB)
    hn1, q = _pre_call(x, W1, r(b1), r(conv_gamma[0]), r(conv_beta[0]),
                       Wp, r(bp), Wq, r(bq))
    sa = _comm_call(ntc3, x)

    degs = sc_deg(dst_p, zr, on)
    d0 = degs[:N, :16]
    d1 = degs[NPAD:NPAD + N, :16]
    sums1 = sc_edge(hn1, src_p, dst_p, zr)
    hn2 = _combine_call(sums1[:N], sums1[NPAD:NPAD + N], d0, d1, hn1,
                        Wl[0], r(bl[0]), Wr[0], r(conv_gamma[1]),
                        r(conv_beta[1]))

    sums2 = sc_edge(hn2, src_p, dst_p, zr)

    out = _attn_call(sums2[:N], sums2[NPAD:NPAD + N], d0, d1, hn2,
                     Wl[1], r(bl[1]), Wr[1], r(gamma), r(beta),
                     q, distance_matrix, sa, Wk, r(bk), Wv, r(bv),
                     W2, r(b2), w_dis.reshape(1, 1), b_dis.reshape(1, 1))
    return out

# --- scband reference (transcript-rebuilt; emitter-appended) ---
"""Pipeline reference for scband-goat-hdse-7851200217416 (READ-ONLY COPY).

The authoritative reference and input builder live on the scoring server;
editing this copy changes nothing except your own understanding.
"""

import math
import jax, jax.numpy as jnp
import numpy as np

N = 10000
E = 320000
C_IN = 128
HID = 128
OUT = 128
L = 2
K = 512
HEADS = 4


def setup_inputs(seed: int = 0) -> dict:
    key = jax.random.key(seed)
    ks = jax.random.split(key, 16)
    s = 0.05
    inp = {}
    inp['x'] = jax.random.normal(ks[0], (N, C_IN), dtype=jnp.float32)
    inp['edge_index'] = jax.random.randint(ks[1], (2, E), 0, N, dtype=jnp.int32)
    inp['distance_matrix'] = jax.random.randint(ks[2], (N, K), 0, 31, dtype=jnp.int32)
    inp['nodes_to_community_tensor'] = jax.random.randint(ks[3], (N,), 0, K, dtype=jnp.int32)
    inp['W1'] = jax.random.normal(ks[4], (C_IN, HID), dtype=jnp.float32) * s
    inp['b1'] = jnp.zeros((HID,), jnp.float32)
    inp['conv_gamma'] = jnp.ones((L, HID), jnp.float32)
    inp['conv_beta'] = jnp.zeros((L, HID), jnp.float32)
    inp['Wl'] = jax.random.normal(ks[5], (L, HID, HID), dtype=jnp.float32) * s
    inp['bl'] = jnp.zeros((L, HID), jnp.float32)
    inp['Wr'] = jax.random.normal(ks[6], (L, HID, HID), dtype=jnp.float32) * s
    inp['gamma'] = jnp.ones((HID,), jnp.float32)
    inp['beta'] = jnp.zeros((HID,), jnp.float32)
    inp['Wp'] = jax.random.normal(ks[7], (C_IN, HID), dtype=jnp.float32) * s
    inp['bp'] = jnp.zeros((HID,), jnp.float32)
    inp['Wq'] = jax.random.normal(ks[8], (HID, HID), dtype=jnp.float32) * s
    inp['bq'] = jnp.zeros((HID,), jnp.float32)
    inp['Wk'] = jax.random.normal(ks[9], (C_IN, HID), dtype=jnp.float32) * s
    inp['bk'] = jnp.zeros((HID,), jnp.float32)
    inp['Wv'] = jax.random.normal(ks[10], (C_IN, HID), dtype=jnp.float32) * s
    inp['bv'] = jnp.zeros((HID,), jnp.float32)
    inp['w_dis'] = jax.random.normal(ks[11], (), dtype=jnp.float32) * s
    inp['b_dis'] = jnp.zeros((), jnp.float32)
    inp['W2'] = jax.random.normal(ks[12], (2 * HID, OUT), dtype=jnp.float32) * s
    inp['b2'] = jnp.zeros((OUT,), jnp.float32)
    return inp


def _layer_norm(x, g, b):
    mu = jnp.mean(x, axis=-1, keepdims=True)
    var = jnp.mean((x - mu) ** 2, axis=-1, keepdims=True)
    return (x - mu) / jnp.sqrt(var + 1e-5) * g + b


def _forward(x, edge_index, distance_matrix, ntc, W1, b1, conv_gamma, conv_beta, Wl, bl, Wr, gamma, beta, Wp, bp, Wq, bq, Wk, bk, Wv, bv, w_dis, b_dis, W2, b2):
    n = x.shape[0]
    x0 = x
    src = edge_index[0]
    dst = edge_index[1]
    # lin1
    h = x @ W1 + b1
    # GNN blocks: LayerNorm -> relu -> (dropout=identity in eval) -> SAGEConv(mean)
    for i in range(L):
        hn = jax.nn.relu(_layer_norm(h, conv_gamma[i], conv_beta[i]))
        msg = hn[src]
        summed = jax.ops.segment_sum(msg, dst, num_segments=n)
        deg = jax.ops.segment_sum(jnp.ones((src.shape[0],), jnp.float32), dst, num_segments=n)
        agg = summed / jnp.clip(deg, 1.0, None)[:, None]
        h = agg @ Wl[i] + bl[i] + hn @ Wr[i]
    h = jax.nn.relu(_layer_norm(h, gamma, beta))
    # global attention over community centroids
    dm = distance_matrix.astype(jnp.float32) * w_dis + b_dis  # fc_dis: Linear(1,1) elementwise
    d = HID // HEADS
    scale = 1.0 / math.sqrt(d)
    q_x = x0 @ Wp + bp
    sizes = jax.ops.segment_sum(jnp.ones((n,), jnp.float32), ntc, num_segments=K)
    sums = jax.ops.segment_sum(x0, ntc, num_segments=K)
    avg = sums / jnp.clip(sizes, 1.0, None)[:, None]
    q = q_x @ Wq + bq
    k = avg @ Wk + bk
    v = avg @ Wv + bv
    q = q.reshape(n, HEADS, d).transpose(1, 0, 2)
    k = k.reshape(K, HEADS, d).transpose(1, 0, 2)
    v = v.reshape(K, HEADS, d).transpose(1, 0, 2)
    dots = jnp.einsum('hid,hjd->hij', q, k) * scale
    cnt = jax.ops.segment_sum(jnp.ones((n,), jnp.float32), ntc, num_segments=K)
    dots = dots + jnp.log(cnt)[None, None, :]
    dots = dots + dm[None, :, :]
    attn = jax.nn.softmax(dots, axis=-1)
    out = jnp.einsum('hij,hjd->hid', attn, v)
    out = out.transpose(1, 0, 2).reshape(n, HID)
    z = jnp.concatenate([h, out], axis=-1)
    return z @ W2 + b2


def reference(x, edge_index, distance_matrix, nodes_to_community_tensor, W1, b1, conv_gamma, conv_beta, Wl, bl, Wr, gamma, beta, Wp, bp, Wq, bq, Wk, bk, Wv, bv, w_dis, b_dis, W2, b2):
    return _forward(x, edge_index, distance_matrix, nodes_to_community_tensor, W1, b1, conv_gamma, conv_beta, Wl, bl, Wr, gamma, beta, Wp, bp, Wq, bq, Wk, bk, Wv, bv, w_dis, b_dis, W2, b2)

if __name__ == "__main__":
    import jax
    _d = setup_inputs()
    print(jax.jit(kernel)(*tuple(_d.values())))

</pallas_src>

<mosaic_0001>
#map = affine_map<(d0, d1) -> (0, 0)>
module attributes {stable_mosaic.version = 14 : i64} {
  func.func @_sc_deg_body(%arg0: i32, %arg1: i32, %arg2: memref<2560x128xi32, #tpu.memory_space<hbm>>, %arg3: memref<640x128xf32, #tpu.memory_space<hbm>>, %arg4: memref<128x128xf32, #tpu.memory_space<hbm>>, %arg5: memref<20480x128xf32, #tpu.memory_space<hbm>>, %arg6: memref<80x128xi32, #tpu.memory_space<vmem>>, %arg7: memref<128x128xf32, #tpu.memory_space<vmem>>, %arg8: memref<10240x128xf32, #tpu.memory_space<vmem_shared>>) attributes {dimension_semantics = [#tpu.dimension_semantics<core_parallel>, #tpu.dimension_semantics<subcore_parallel>], iteration_bounds = array<i64: 2, 16>, scalar_prefetch = 0 : i64, scratch_operands = 3 : i64, tpu.core_type = #tpu.core_type<sc_vector_subcore>, window_params = [{transform_indices = #map}, {transform_indices = #map}, {transform_indices = #map}, {transform_indices = #map}]} {
    %mul3A = arith.constant 640 : i32
    %mul3A_0 = arith.muli %arg1, %mul3A : i32
    "tpu.region"() ({
      %run_scoped3A = tpu.sem_alloc : memref<!tpu.dma_semaphore, #tpu.memory_space<semaphore_mem>>
      %dma_start3A = arith.constant 0 : i32
      %dma_start3A_14 = tpu.memref_slice %arg8[%mul3A_0, %dma_start3A] : memref<10240x128xf32, #tpu.memory_space<vmem_shared>> -> memref<640x128xf32, #tpu.memory_space<vmem_shared>>
      tpu.enqueue_dma source(%arg3 : memref<640x128xf32, #tpu.memory_space<hbm>>) target(%dma_start3A_14 : memref<640x128xf32, #tpu.memory_space<vmem_shared>>) target_semaphore(%run_scoped3A : memref<!tpu.dma_semaphore, #tpu.memory_space<semaphore_mem>>)
      %dma_wait3A = arith.constant 0 : i32
      %dma_wait3A_15 = tpu.memref_slice %arg8[%mul3A_0, %dma_wait3A] : memref<10240x128xf32, #tpu.memory_space<vmem_shared>> -> memref<640x128xf32, #tpu.memory_space<vmem_shared>>
      tpu.wait_dma2 semaphore(%run_scoped3A : memref<!tpu.dma_semaphore, #tpu.memory_space<semaphore_mem>>) src(%arg3 : memref<640x128xf32, #tpu.memory_space<hbm>>) dst(%dma_wait3A_15 : memref<640x128xf32, #tpu.memory_space<vmem_shared>>)
      tpu.yield
    }) : () -> ()
    "tpu.region"() ({
      %run_scoped3A = tpu.sem_alloc : memref<!tpu.dma_semaphore, #tpu.memory_space<semaphore_mem>>
      tpu.enqueue_dma source(%arg4 : memref<128x128xf32, #tpu.memory_space<hbm>>) target(%arg7 : memref<128x128xf32, #tpu.memory_space<vmem>>) target_semaphore(%run_scoped3A : memref<!tpu.dma_semaphore, #tpu.memory_space<semaphore_mem>>)
      tpu.wait_dma2 semaphore(%run_scoped3A : memref<!tpu.dma_semaphore, #tpu.memory_space<semaphore_mem>>) src(%arg4 : memref<128x128xf32, #tpu.memory_space<hbm>>) dst(%arg7 : memref<128x128xf32, #tpu.memory_space<vmem>>)
      tpu.yield
    }) : () -> ()
    %mul3A_1 = arith.constant 16 : i32
    %mul3A_2 = arith.muli %arg0, %mul3A_1 : i32
    %add3A = arith.addi %mul3A_2, %arg1 : i32
    %mul3A_3 = arith.constant 80 : i32
    %mul3A_4 = arith.muli %add3A, %mul3A_3 : i32
    "tpu.region"() ({
      %run_scoped3A = tpu.sem_alloc : memref<!tpu.dma_semaphore, #tpu.memory_space<semaphore_mem>>
      %dma_start3A = arith.constant 0 : i32
      %dma_start3A_14 = tpu.memref_slice %arg2[%mul3A_4, %dma_start3A] : memref<2560x128xi32, #tpu.memory_space<hbm>> -> memref<80x128xi32, #tpu.memory_space<hbm>>
      %dma_start3A_15 = arith.constant 0 : i32
      %dma_start3A_16 = tpu.memref_slice %arg2[%mul3A_4, %dma_start3A_15] : memref<2560x128xi32, #tpu.memory_space<hbm>> -> memref<80x128xi32, #tpu.memory_space<hbm>>
      tpu.enqueue_dma source(%dma_start3A_16 : memref<80x128xi32, #tpu.memory_space<hbm>>) target(%arg6 : memref<80x128xi32, #tpu.memory_space<vmem>>) target_semaphore(%run_scoped3A : memref<!tpu.dma_semaphore, #tpu.memory_space<semaphore_mem>>)
      %dma_wait3A = arith.constant 0 : i32
      %dma_wait3A_17 = tpu.memref_slice %arg2[%mul3A_4, %dma_wait3A] : memref<2560x128xi32, #tpu.memory_space<hbm>> -> memref<80x128xi32, #tpu.memory_space<hbm>>
      %dma_wait3A_18 = arith.constant 0 : i32
      %dma_wait3A_19 = tpu.memref_slice %arg2[%mul3A_4, %dma_wait3A_18] : memref<2560x128xi32, #tpu.memory_space<hbm>> -> memref<80x128xi32, #tpu.memory_space<hbm>>
      tpu.wait_dma2 semaphore(%run_scoped3A : memref<!tpu.dma_semaphore, #tpu.memory_space<semaphore_mem>>) src(%dma_wait3A_19 : memref<80x128xi32, #tpu.memory_space<hbm>>) dst(%arg6 : memref<80x128xi32, #tpu.memory_space<vmem>>)
      tpu.yield
    }) : () -> ()
    %barrier3A = arith.constant 0 : index
    tpu.barrier barrier_id(%barrier3A)
    %scan3A = arith.constant 0 : i32
    %scan3A_5 = arith.constant 0 : i32
    %scan3A_6 = arith.constant 80 : i32
    %scan3A_7 = arith.addi %scan3A_5, %scan3A_6 : i32
    %scan3A_8 = arith.constant 1 : i32
    scf.for %scan3A_14 = %scan3A_5 to %scan3A_7 step %scan3A_8  : i32 {
      "tpu.region"() ({
        %run_scoped3A = tpu.sem_alloc : memref<!tpu.dma_semaphore, #tpu.memory_space<semaphore_mem>>
        %dma_start3A = arith.constant 0 : i32
        %dma_start3A_15 = tpu.memref_slice %arg6[%scan3A_14, %dma_start3A] : memref<80x128xi32, #tpu.memory_space<vmem>> -> memref<1x128xi32, #tpu.memory_space<vmem>>
        %dma_start3A_16 = tpu.memref_squeeze %dma_start3A_15 : memref<1x128xi32, #tpu.memory_space<vmem>> -> memref<128xi32, #tpu.memory_space<vmem>>
        %dma_start3A_17 = arith.constant 0 : i32
        %dma_start3A_18 = arith.constant 0 : i32
        %dma_start3A_19 = tpu.memref_slice %arg8[%dma_start3A_17, %dma_start3A_18] : memref<10240x128xf32, #tpu.memory_space<vmem_shared>> -> memref<10240x128xf32, #tpu.memory_space<vmem_shared>>
        tpu.enqueue_indirect_dma source(%arg7 : memref<128x128xf32, #tpu.memory_space<vmem>>) target(%dma_start3A_19 : memref<10240x128xf32, #tpu.memory_space<vmem_shared>>) offsets(%dma_start3A_16 : memref<128xi32, #tpu.memory_space<vmem>>) semaphore(%run_scoped3A : memref<!tpu.dma_semaphore, #tpu.memory_space<semaphore_mem>>) {add = true}
        %dma_wait3A = arith.constant 0 : i32
        %dma_wait3A_20 = tpu.memref_slice %arg6[%scan3A_14, %dma_wait3A] : memref<80x128xi32, #tpu.memory_space<vmem>> -> memref<1x128xi32, #tpu.memory_space<vmem>>
        %dma_wait3A_21 = tpu.memref_squeeze %dma_wait3A_20 : memref<1x128xi32, #tpu.memory_space<vmem>> -> memref<128xi32, #tpu.memory_space<vmem>>
        %dma_wait3A_22 = arith.constant 0 : i32
        %dma_wait3A_23 = arith.constant 0 : i32
        %dma_wait3A_24 = tpu.memref_slice %arg8[%dma_wait3A_22, %dma_wait3A_23] : memref<10240x128xf32, #tpu.memory_space<vmem_shared>> -> memref<10240x128xf32, #tpu.memory_space<vmem_shared>>
        tpu.wait_indirect_dma semaphore(%run_scoped3A : memref<!tpu.dma_semaphore, #tpu.memory_space<semaphore_mem>>) src(%arg7 : memref<128x128xf32, #tpu.memory_space<vmem>>) dst(%dma_wait3A_24 : memref<10240x128xf32, #tpu.memory_space<vmem_shared>>)
        tpu.yield
      }) : () -> ()
    }
    %scan3A_9 = arith.constant 80 : i32
    %barrier3A_10 = arith.constant 0 : index
    tpu.barrier barrier_id(%barrier3A_10)
    %mul3A_11 = arith.constant 10240 : i32
    %mul3A_12 = arith.muli %arg0, %mul3A_11 : i32
    %add3A_13 = arith.addi %mul3A_12, %mul3A_0 : i32
    "tpu.region"() ({
      %run_scoped3A = tpu.sem_alloc : memref<!tpu.dma_semaphore, #tpu.memory_space<semaphore_mem>>
      %dma_start3A = arith.constant 0 : i32
      %dma_start3A_14 = tpu.memref_slice %arg5[%add3A_13, %dma_start3A] : memref<20480x128xf32, #tpu.memory_space<hbm>> -> memref<640x128xf32, #tpu.memory_space<hbm>>
      %dma_start3A_15 = arith.constant 0 : i32
      %dma_start3A_16 = tpu.memref_slice %arg8[%mul3A_0, %dma_start3A_15] : memref<10240x128xf32, #tpu.memory_space<vmem_shared>> -> memref<640x128xf32, #tpu.memory_space<vmem_shared>>
      tpu.enqueue_dma source(%dma_start3A_16 : memref<640x128xf32, #tpu.memory_space<vmem_shared>>) target(%dma_start3A_14 : memref<640x128xf32, #tpu.memory_space<hbm>>) target_semaphore(%run_scoped3A : memref<!tpu.dma_semaphore, #tpu.memory_space<semaphore_mem>>)
      %dma_wait3A = arith.constant 0 : i32
      %dma_wait3A_17 = tpu.memref_slice %arg5[%add3A_13, %dma_wait3A] : memref<20480x128xf32, #tpu.memory_space<hbm>> -> memref<640x128xf32, #tpu.memory_space<hbm>>
      %dma_wait3A_18 = arith.constant 0 : i32
      %dma_wait3A_19 = tpu.memref_slice %arg8[%mul3A_0, %dma_wait3A_18] : memref<10240x128xf32, #tpu.memory_space<vmem_shared>> -> memref<640x128xf32, #tpu.memory_space<vmem_shared>>
      tpu.wait_dma2 semaphore(%run_scoped3A : memref<!tpu.dma_semaphore, #tpu.memory_space<semaphore_mem>>) src(%dma_wait3A_19 : memref<640x128xf32, #tpu.memory_space<vmem_shared>>) dst(%dma_wait3A_17 : memref<640x128xf32, #tpu.memory_space<hbm>>)
      tpu.yield
    }) : () -> ()
    return
  }
}

#map = affine_map<(d0, d1) -> (0, 0)>
module attributes {stable_mosaic.version = 14 : i64} {
  func.func @_sc_edge_body(%arg0: i32, %arg1: i32, %arg2: memref<10000x128xf32, #tpu.memory_space<hbm>>, %arg3: memref<2560x128xi32, #tpu.memory_space<hbm>>, %arg4: memref<2560x128xi32, #tpu.memory_space<hbm>>, %arg5: memref<640x128xf32, #tpu.memory_space<hbm>>, %arg6: memref<20480x128xf32, #tpu.memory_space<hbm>>, %arg7: memref<8x128xi32, #tpu.memory_space<vmem>>, %arg8: memref<8x128xi32, #tpu.memory_space<vmem>>, %arg9: memref<128x128xf32, #tpu.memory_space<vmem>>, %arg10: memref<128x128xf32, #tpu.memory_space<vmem>>, %arg11: memref<10240x128xf32, #tpu.memory_space<vmem_shared>>, %arg12: memref<!tpu.dma_semaphore, #tpu.memory_space<semaphore_mem>>, %arg13: memref<!tpu.dma_semaphore, #tpu.memory_space<semaphore_mem>>) attributes {dimension_semantics = [#tpu.dimension_semantics<core_parallel>, #tpu.dimension_semantics<subcore_parallel>], iteration_bounds = array<i64: 2, 16>, scalar_prefetch = 0 : i64, scratch_operands = 7 : i64, tpu.core_type = #tpu.core_type<sc_vector_subcore>, window_params = [{transform_indices = #map}, {transform_indices = #map}, {transform_indices = #map}, {transform_indices = #map}, {transform_indices = #map}]} {
    %mul3A = arith.constant 640 : i32
    %mul3A_0 = arith.muli %arg1, %mul3A : i32
    "tpu.region"() ({
      %run_scoped3A = tpu.sem_alloc : memref<!tpu.dma_semaphore, #tpu.memory_space<semaphore_mem>>
      %dma_start3A = arith.constant 0 : i32
      %dma_start3A_42 = tpu.memref_slice %arg11[%mul3A_0, %dma_start3A] : memref<10240x128xf32, #tpu.memory_space<vmem_shared>> -> memref<640x128xf32, #tpu.memory_space<vmem_shared>>
      tpu.enqueue_dma source(%arg5 : memref<640x128xf32, #tpu.memory_space<hbm>>) target(%dma_start3A_42 : memref<640x128xf32, #tpu.memory_space<vmem_shared>>) target_semaphore(%run_scoped3A : memref<!tpu.dma_semaphore, #tpu.memory_space<semaphore_mem>>)
      %dma_wait3A = arith.constant 0 : i32
      %dma_wait3A_43 = tpu.memref_slice %arg11[%mul3A_0, %dma_wait3A] : memref<10240x128xf32, #tpu.memory_space<vmem_shared>> -> memref<640x128xf32, #tpu.memory_space<vmem_shared>>
      tpu.wait_dma2 semaphore(%run_scoped3A : memref<!tpu.dma_semaphore, #tpu.memory_space<semaphore_mem>>) src(%arg5 : memref<640x128xf32, #tpu.memory_space<hbm>>) dst(%dma_wait3A_43 : memref<640x128xf32, #tpu.memory_space<vmem_shared>>)
      tpu.yield
    }) : () -> ()
    %eq3A = arith.constant 0 : i32
    %eq3A_1 = arith.cmpi eq, %arg0, %eq3A : i32
    %jit3A = arith.constant 152 : i32
    %jit3A_2 = arith.constant 8 : i32
    %select_n3A = arith.select %eq3A_1, %jit3A, %jit3A_2 : i32
    %eq3A_3 = arith.constant 0 : i32
    %eq3A_4 = arith.cmpi eq, %arg0, %eq3A_3 : i32
    %mul3A_5 = arith.constant 152 : i32
    %mul3A_6 = arith.muli %arg1, %mul3A_5 : i32
    %mul3A_7 = arith.constant 8 : i32
    %mul3A_8 = arith.muli %arg1, %mul3A_7 : i32
    %add3A = arith.constant 2432 : i32
    %add3A_9 = arith.addi %add3A, %mul3A_8 : i32
    %select_n3A_10 = arith.select %eq3A_4, %mul3A_6, %add3A_9 : i32
    %barrier3A = arith.constant 0 : index
    tpu.barrier barrier_id(%barrier3A)
    %jit3A_11 = arith.constant 8 : i32
    %div3A = arith.divsi %select_n3A, %jit3A_11 : i32
    %sign3A = arith.constant 0 : i32
    %sign3A_12 = arith.cmpi sgt, %select_n3A, %sign3A : i32
    %sign3A_13 = arith.extui %sign3A_12 : i1 to i32
    %sign3A_14 = arith.constant 0 : i32
    %sign3A_15 = arith.cmpi slt, %select_n3A, %sign3A_14 : i32
    %sign3A_16 = arith.extui %sign3A_15 : i1 to i32
    %sign3A_17 = arith.subi %sign3A_13, %sign3A_16 : i32
    %sign3A_18 = arith.constant 0 : i32
    %sign3A_19 = arith.cmpi sgt, %jit3A_11, %sign3A_18 : i32
    %sign3A_20 = arith.extui %sign3A_19 : i1 to i32
    %sign3A_21 = arith.constant 0 : i32
    %sign3A_22 = arith.cmpi slt, %jit3A_11, %sign3A_21 : i32
    %sign3A_23 = arith.extui %sign3A_22 : i1 to i32
    %sign3A_24 = arith.subi %sign3A_20, %sign3A_23 : i32
    %ne3A = arith.cmpi ne, %sign3A_17, %sign3A_24 : i32
    %rem3A = arith.remsi %select_n3A, %jit3A_11 : i32
    %ne3A_25 = arith.constant 0 : i32
    %ne3A_26 = arith.cmpi ne, %rem3A, %ne3A_25 : i32
    %and3A = arith.andi %ne3A, %ne3A_26 : i1
    %sub3A = arith.constant 1 : i32
    %sub3A_27 = arith.subi %div3A, %sub3A : i32
    %select_n3A_28 = arith.select %and3A, %sub3A_27, %div3A : i32
    %while3A = arith.constant 0 : i32
    %while3A_29 = arith.constant 0 : i32
    %while3A_30 = arith.subi %select_n3A_28, %while3A_29 : i32
    %while3A_31 = arith.addi %while3A_29, %while3A_30 : i32
    %while3A_32 = arith.constant 1 : i32
    %while3A_33 = arith.divsi %while3A_30, %while3A_32 : i32
    %while3A_34 = arith.muli %while3A_33, %while3A_32 : i32
    %while3A_35 = arith.addi %while3A_29, %while3A_34 : i32
    %while3A_36 = arith.constant 1 : i32
    scf.for %while3A_42 = %while3A_29 to %while3A_35 step %while3A_36  : i32 {
      %mul3A_43 = arith.constant 8 : i32
      %mul3A_44 = arith.muli %while3A_42, %mul3A_43 : i32
      %add3A_45 = arith.addi %select_n3A_10, %mul3A_44 : i32
      "tpu.region"() ({
        %run_scoped3A = tpu.sem_alloc : memref<!tpu.dma_semaphore, #tpu.memory_space<semaphore_mem>>
        %dma_start3A_64 = arith.constant 0 : i32
        %dma_start3A_65 = tpu.memref_slice %arg3[%add3A_45, %dma_start3A_64] : memref<2560x128xi32, #tpu.memory_space<hbm>> -> memref<8x128xi32, #tpu.memory_space<hbm>>
        %dma_start3A_66 = arith.constant 0 : i32
        %dma_start3A_67 = tpu.memref_slice %arg3[%add3A_45, %dma_start3A_66] : memref<2560x128xi32, #tpu.memory_space<hbm>> -> memref<8x128xi32, #tpu.memory_space<hbm>>
        tpu.enqueue_dma source(%dma_start3A_67 : memref<8x128xi32, #tpu.memory_space<hbm>>) target(%arg7 : memref<8x128xi32, #tpu.memory_space<vmem>>) target_semaphore(%run_scoped3A : memref<!tpu.dma_semaphore, #tpu.memory_space<semaphore_mem>>)
        %dma_wait3A = arith.constant 0 : i32
        %dma_wait3A_68 = tpu.memref_slice %arg3[%add3A_45, %dma_wait3A] : memref<2560x128xi32, #tpu.memory_space<hbm>> -> memref<8x128xi32, #tpu.memory_space<hbm>>
        %dma_wait3A_69 = arith.constant 0 : i32
        %dma_wait3A_70 = tpu.memref_slice %arg3[%add3A_45, %dma_wait3A_69] : memref<2560x128xi32, #tpu.memory_space<hbm>> -> memref<8x128xi32, #tpu.memory_space<hbm>>
        tpu.wait_dma2 semaphore(%run_scoped3A : memref<!tpu.dma_semaphore, #tpu.memory_space<semaphore_mem>>) src(%dma_wait3A_70 : memref<8x128xi32, #tpu.memory_space<hbm>>) dst(%arg7 : memref<8x128xi32, #tpu.memory_space<vmem>>)
        tpu.yield
      }) : () -> ()
      "tpu.region"() ({
        %run_scoped3A = tpu.sem_alloc : memref<!tpu.dma_semaphore, #tpu.memory_space<semaphore_mem>>
        %dma_start3A_64 = arith.constant 0 : i32
        %dma_start3A_65 = tpu.memref_slice %arg4[%add3A_45, %dma_start3A_64] : memref<2560x128xi32, #tpu.memory_space<hbm>> -> memref<8x128xi32, #tpu.memory_space<hbm>>
        %dma_start3A_66 = arith.constant 0 : i32
        %dma_start3A_67 = tpu.memref_slice %arg4[%add3A_45, %dma_start3A_66] : memref<2560x128xi32, #tpu.memory_space<hbm>> -> memref<8x128xi32, #tpu.memory_space<hbm>>
        tpu.enqueue_dma source(%dma_start3A_67 : memref<8x128xi32, #tpu.memory_space<hbm>>) target(%arg8 : memref<8x128xi32, #tpu.memory_space<vmem>>) target_semaphore(%run_scoped3A : memref<!tpu.dma_semaphore, #tpu.memory_space<semaphore_mem>>)
        %dma_wait3A = arith.constant 0 : i32
        %dma_wait3A_68 = tpu.memref_slice %arg4[%add3A_45, %dma_wait3A] : memref<2560x128xi32, #tpu.memory_space<hbm>> -> memref<8x128xi32, #tpu.memory_space<hbm>>
        %dma_wait3A_69 = arith.constant 0 : i32
        %dma_wait3A_70 = tpu.memref_slice %arg4[%add3A_45, %dma_wait3A_69] : memref<2560x128xi32, #tpu.memory_space<hbm>> -> memref<8x128xi32, #tpu.memory_space<hbm>>
        tpu.wait_dma2 semaphore(%run_scoped3A : memref<!tpu.dma_semaphore, #tpu.memory_space<semaphore_mem>>) src(%dma_wait3A_70 : memref<8x128xi32, #tpu.memory_space<hbm>>) dst(%arg8 : memref<8x128xi32, #tpu.memory_space<vmem>>)
        tpu.yield
      }) : () -> ()
      %dma_start3A = arith.constant 0 : i32
      %dma_start3A_46 = arith.constant 0 : i32
      %dma_start3A_47 = tpu.memref_slice %arg7[%dma_start3A, %dma_start3A_46] : memref<8x128xi32, #tpu.memory_space<vmem>> -> memref<1x128xi32, #tpu.memory_space<vmem>>
      %dma_start3A_48 = tpu.memref_squeeze %dma_start3A_47 : memref<1x128xi32, #tpu.memory_space<vmem>> -> memref<128xi32, #tpu.memory_space<vmem>>
      %dma_start3A_49 = arith.constant 0 : i32
      %dma_start3A_50 = arith.constant 0 : i32
      %dma_start3A_51 = tpu.memref_slice %arg2[%dma_start3A_49, %dma_start3A_50] : memref<10000x128xf32, #tpu.memory_space<hbm>> -> memref<10000x128xf32, #tpu.memory_space<hbm>>
      tpu.enqueue_indirect_dma source(%dma_start3A_51 : memref<10000x128xf32, #tpu.memory_space<hbm>>) target(%arg9 : memref<128x128xf32, #tpu.memory_space<vmem>>) offsets(%dma_start3A_48 : memref<128xi32, #tpu.memory_space<vmem>>) semaphore(%arg12 : memref<!tpu.dma_semaphore, #tpu.memory_space<semaphore_mem>>)
      %dma_start3A_52 = arith.constant 1 : i32
      %dma_start3A_53 = arith.constant 0 : i32
      %dma_start3A_54 = tpu.memref_slice %arg7[%dma_start3A_52, %dma_start3A_53] : memref<8x128xi32, #tpu.memory_space<vmem>> -> memref<1x128xi32, #tpu.memory_space<vmem>>
      %dma_start3A_55 = tpu.memref_squeeze %dma_start3A_54 : memref<1x128xi32, #tpu.memory_space<vmem>> -> memref<128xi32, #tpu.memory_space<vmem>>
      %dma_start3A_56 = arith.constant 0 : i32
      %dma_start3A_57 = arith.constant 0 : i32
      %dma_start3A_58 = tpu.memref_slice %arg2[%dma_start3A_56, %dma_start3A_57] : memref<10000x128xf32, #tpu.memory_space<hbm>> -> memref<10000x128xf32, #tpu.memory_space<hbm>>
      tpu.enqueue_indirect_dma source(%dma_start3A_58 : memref<10000x128xf32, #tpu.memory_space<hbm>>) target(%arg10 : memref<128x128xf32, #tpu.memory_space<vmem>>) offsets(%dma_start3A_55 : memref<128xi32, #tpu.memory_space<vmem>>) semaphore(%arg13 : memref<!tpu.dma_semaphore, #tpu.memory_space<semaphore_mem>>)
      %scan3A = arith.constant 0 : i32
      %scan3A_59 = arith.constant 0 : i32
      %scan3A_60 = arith.constant 4 : i32
      %scan3A_61 = arith.addi %scan3A_59, %scan3A_60 : i32
      %scan3A_62 = arith.constant 1 : i32
      scf.for %scan3A_64 = %scan3A_59 to %scan3A_61 step %scan3A_62  : i32 {
        %mul3A_65 = arith.constant 2 : i32
        %mul3A_66 = arith.muli %scan3A_64, %mul3A_65 : i32
        %add3A_67 = arith.constant 0 : i32
        %add3A_68 = arith.addi %mul3A_66, %add3A_67 : i32
        %dma_wait3A = arith.constant 0 : i32
        %dma_wait3A_69 = tpu.memref_slice %arg7[%add3A_68, %dma_wait3A] : memref<8x128xi32, #tpu.memory_space<vmem>> -> memref<1x128xi32, #tpu.memory_space<vmem>>
        %dma_wait3A_70 = tpu.memref_squeeze %dma_wait3A_69 : memref<1x128xi32, #tpu.memory_space<vmem>> -> memref<128xi32, #tpu.memory_space<vmem>>
        %dma_wait3A_71 = arith.constant 0 : i32
        %dma_wait3A_72 = arith.constant 0 : i32
        %dma_wait3A_73 = tpu.memref_slice %arg2[%dma_wait3A_71, %dma_wait3A_72] : memref<10000x128xf32, #tpu.memory_space<hbm>> -> memref<10000x128xf32, #tpu.memory_space<hbm>>
        tpu.wait_indirect_dma semaphore(%arg12 : memref<!tpu.dma_semaphore, #tpu.memory_space<semaphore_mem>>) src(%dma_wait3A_73 : memref<10000x128xf32, #tpu.memory_space<hbm>>) dst(%arg9 : memref<128x128xf32, #tpu.memory_space<vmem>>)
        "tpu.region"() ({
          %run_scoped3A = tpu.sem_alloc : memref<!tpu.dma_semaphore, #tpu.memory_space<semaphore_mem>>
          %dma_start3A_93 = arith.constant 0 : i32
          %dma_start3A_94 = tpu.memref_slice %arg8[%add3A_68, %dma_start3A_93] : memref<8x128xi32, #tpu.memory_space<vmem>> -> memref<1x128xi32, #tpu.memory_space<vmem>>
          %dma_start3A_95 = tpu.memref_squeeze %dma_start3A_94 : memref<1x128xi32, #tpu.memory_space<vmem>> -> memref<128xi32, #tpu.memory_space<vmem>>
          %dma_start3A_96 = arith.constant 0 : i32
          %dma_start3A_97 = arith.constant 0 : i32
          %dma_start3A_98 = tpu.memref_slice %arg11[%dma_start3A_96, %dma_start3A_97] : memref<10240x128xf32, #tpu.memory_space<vmem_shared>> -> memref<10240x128xf32, #tpu.memory_space<vmem_shared>>
          tpu.enqueue_indirect_dma source(%arg9 : memref<128x128xf32, #tpu.memory_space<vmem>>) target(%dma_start3A_98 : memref<10240x128xf32, #tpu.memory_space<vmem_shared>>) offsets(%dma_start3A_95 : memref<128xi32, #tpu.memory_space<vmem>>) semaphore(%run_scoped3A : memref<!tpu.dma_semaphore, #tpu.memory_space<semaphore_mem>>) {add = true}
          %dma_wait3A_99 = arith.constant 0 : i32
          %dma_wait3A_100 = tpu.memref_slice %arg8[%add3A_68, %dma_wait3A_99] : memref<8x128xi32, #tpu.memory_space<vmem>> -> memref<1x128xi32, #tpu.memory_space<vmem>>
          %dma_wait3A_101 = tpu.memref_squeeze %dma_wait3A_100 : memref<1x128xi32, #tpu.memory_space<vmem>> -> memref<128xi32, #tpu.memory_space<vmem>>
          %dma_wait3A_102 = arith.constant 0 : i32
          %dma_wait3A_103 = arith.constant 0 : i32
          %dma_wait3A_104 = tpu.memref_slice %arg11[%dma_wait3A_102, %dma_wait3A_103] : memref<10240x128xf32, #tpu.memory_space<vmem_shared>> -> memref<10240x128xf32, #tpu.memory_space<vmem_shared>>
          tpu.wait_indirect_dma semaphore(%run_scoped3A : memref<!tpu.dma_semaphore, #tpu.memory_space<semaphore_mem>>) src(%arg9 : memref<128x128xf32, #tpu.memory_space<vmem>>) dst(%dma_wait3A_104 : memref<10240x128xf32, #tpu.memory_space<vmem_shared>>)
          tpu.yield
        }) : () -> ()
        %add3A_74 = arith.constant 2 : i32
        %add3A_75 = arith.addi %add3A_68, %add3A_74 : i32
        %lt3A = arith.constant 8 : i32
        %lt3A_76 = arith.cmpi slt, %add3A_75, %lt3A : i32
        %convert_element_type3A = arith.extui %lt3A_76 : i1 to i32
        %cond3A = arith.constant 0 : i32
        %cond3A_77 = arith.cmpi ne, %convert_element_type3A, %cond3A : i32
        scf.if %cond3A_77 {
          %add3A_93 = arith.constant 2 : i32
          %add3A_94 = arith.addi %add3A_68, %add3A_93 : i32
          %dma_start3A_95 = arith.constant 0 : i32
          %dma_start3A_96 = tpu.memref_slice %arg7[%add3A_94, %dma_start3A_95] : memref<8x128xi32, #tpu.memory_space<vmem>> -> memref<1x128xi32, #tpu.memory_space<vmem>>
          %dma_start3A_97 = tpu.memref_squeeze %dma_start3A_96 : memref<1x128xi32, #tpu.memory_space<vmem>> -> memref<128xi32, #tpu.memory_space<vmem>>
          %dma_start3A_98 = arith.constant 0 : i32
          %dma_start3A_99 = arith.constant 0 : i32
          %dma_start3A_100 = tpu.memref_slice %arg2[%dma_start3A_98, %dma_start3A_99] : memref<10000x128xf32, #tpu.memory_space<hbm>> -> memref<10000x128xf32, #tpu.memory_space<hbm>>
          tpu.enqueue_indirect_dma source(%dma_start3A_100 : memref<10000x128xf32, #tpu.memory_space<hbm>>) target(%arg9 : memref<128x128xf32, #tpu.memory_space<vmem>>) offsets(%dma_start3A_97 : memref<128xi32, #tpu.memory_space<vmem>>) semaphore(%arg12 : memref<!tpu.dma_semaphore, #tpu.memory_space<semaphore_mem>>)
        } else {
        }
        %add3A_78 = arith.constant 1 : i32
        %add3A_79 = arith.addi %mul3A_66, %add3A_78 : i32
        %dma_wait3A_80 = arith.constant 0 : i32
        %dma_wait3A_81 = tpu.memref_slice %arg7[%add3A_79, %dma_wait3A_80] : memref<8x128xi32, #tpu.memory_space<vmem>> -> memref<1x128xi32, #tpu.memory_space<vmem>>
        %dma_wait3A_82 = tpu.memref_squeeze %dma_wait3A_81 : memref<1x128xi32, #tpu.memory_space<vmem>> -> memref<128xi32, #tpu.memory_space<vmem>>
        %dma_wait3A_83 = arith.constant 0 : i32
        %dma_wait3A_84 = arith.constant 0 : i32
        %dma_wait3A_85 = tpu.memref_slice %arg2[%dma_wait3A_83, %dma_wait3A_84] : memref<10000x128xf32, #tpu.memory_space<hbm>> -> memref<10000x128xf32, #tpu.memory_space<hbm>>
        tpu.wait_indirect_dma semaphore(%arg13 : memref<!tpu.dma_semaphore, #tpu.memory_space<semaphore_mem>>) src(%dma_wait3A_85 : memref<10000x128xf32, #tpu.memory_space<hbm>>) dst(%arg10 : memref<128x128xf32, #tpu.memory_space<vmem>>)
        "tpu.region"() ({
          %run_scoped3A = tpu.sem_alloc : memref<!tpu.dma_semaphore, #tpu.memory_space<semaphore_mem>>
          %dma_start3A_93 = arith.constant 0 : i32
          %dma_start3A_94 = tpu.memref_slice %arg8[%add3A_79, %dma_start3A_93] : memref<8x128xi32, #tpu.memory_space<vmem>> -> memref<1x128xi32, #tpu.memory_space<vmem>>
          %dma_start3A_95 = tpu.memref_squeeze %dma_start3A_94 : memref<1x128xi32, #tpu.memory_space<vmem>> -> memref<128xi32, #tpu.memory_space<vmem>>
          %dma_start3A_96 = arith.constant 0 : i32
          %dma_start3A_97 = arith.constant 0 : i32
          %dma_start3A_98 = tpu.memref_slice %arg11[%dma_start3A_96, %dma_start3A_97] : memref<10240x128xf32, #tpu.memory_space<vmem_shared>> -> memref<10240x128xf32, #tpu.memory_space<vmem_shared>>
          tpu.enqueue_indirect_dma source(%arg10 : memref<128x128xf32, #tpu.memory_space<vmem>>) target(%dma_start3A_98 : memref<10240x128xf32, #tpu.memory_space<vmem_shared>>) offsets(%dma_start3A_95 : memref<128xi32, #tpu.memory_space<vmem>>) semaphore(%run_scoped3A : memref<!tpu.dma_semaphore, #tpu.memory_space<semaphore_mem>>) {add = true}
          %dma_wait3A_99 = arith.constant 0 : i32
          %dma_wait3A_100 = tpu.memref_slice %arg8[%add3A_79, %dma_wait3A_99] : memref<8x128xi32, #tpu.memory_space<vmem>> -> memref<1x128xi32, #tpu.memory_space<vmem>>
          %dma_wait3A_101 = tpu.memref_squeeze %dma_wait3A_100 : memref<1x128xi32, #tpu.memory_space<vmem>> -> memref<128xi32, #tpu.memory_space<vmem>>
          %dma_wait3A_102 = arith.constant 0 : i32
          %dma_wait3A_103 = arith.constant 0 : i32
          %dma_wait3A_104 = tpu.memref_slice %arg11[%dma_wait3A_102, %dma_wait3A_103] : memref<10240x128xf32, #tpu.memory_space<vmem_shared>> -> memref<10240x128xf32, #tpu.memory_space<vmem_shared>>
          tpu.wait_indirect_dma semaphore(%run_scoped3A : memref<!tpu.dma_semaphore, #tpu.memory_space<semaphore_mem>>) src(%arg10 : memref<128x128xf32, #tpu.memory_space<vmem>>) dst(%dma_wait3A_104 : memref<10240x128xf32, #tpu.memory_space<vmem_shared>>)
          tpu.yield
        }) : () -> ()
        %add3A_86 = arith.constant 2 : i32
        %add3A_87 = arith.addi %add3A_79, %add3A_86 : i32
        %lt3A_88 = arith.constant 8 : i32
        %lt3A_89 = arith.cmpi slt, %add3A_87, %lt3A_88 : i32
        %convert_element_type3A_90 = arith.extui %lt3A_89 : i1 to i32
        %cond3A_91 = arith.constant 0 : i32
        %cond3A_92 = arith.cmpi ne, %convert_element_type3A_90, %cond3A_91 : i32
        scf.if %cond3A_92 {
          %add3A_93 = arith.constant 2 : i32
          %add3A_94 = arith.addi %add3A_79, %add3A_93 : i32
          %dma_start3A_95 = arith.constant 0 : i32
          %dma_start3A_96 = tpu.memref_slice %arg7[%add3A_94, %dma_start3A_95] : memref<8x128xi32, #tpu.memory_space<vmem>> -> memref<1x128xi32, #tpu.memory_space<vmem>>
          %dma_start3A_97 = tpu.memref_squeeze %dma_start3A_96 : memref<1x128xi32, #tpu.memory_space<vmem>> -> memref<128xi32, #tpu.memory_space<vmem>>
          %dma_start3A_98 = arith.constant 0 : i32
          %dma_start3A_99 = arith.constant 0 : i32
          %dma_start3A_100 = tpu.memref_slice %arg2[%dma_start3A_98, %dma_start3A_99] : memref<10000x128xf32, #tpu.memory_space<hbm>> -> memref<10000x128xf32, #tpu.memory_space<hbm>>
          tpu.enqueue_indirect_dma source(%dma_start3A_100 : memref<10000x128xf32, #tpu.memory_space<hbm>>) target(%arg10 : memref<128x128xf32, #tpu.memory_space<vmem>>) offsets(%dma_start3A_97 : memref<128xi32, #tpu.memory_space<vmem>>) semaphore(%arg13 : memref<!tpu.dma_semaphore, #tpu.memory_space<semaphore_mem>>)
        } else {
        }
      }
      %scan3A_63 = arith.constant 4 : i32
    }
    %while3A_37 = arith.constant 1 : i32
    scf.for %while3A_42 = %while3A_35 to %while3A_31 step %while3A_37  : i32 {
      %mul3A_43 = arith.constant 8 : i32
      %mul3A_44 = arith.muli %while3A_42, %mul3A_43 : i32
      %add3A_45 = arith.addi %select_n3A_10, %mul3A_44 : i32
      "tpu.region"() ({
        %run_scoped3A = tpu.sem_alloc : memref<!tpu.dma_semaphore, #tpu.memory_space<semaphore_mem>>
        %dma_start3A_64 = arith.constant 0 : i32
        %dma_start3A_65 = tpu.memref_slice %arg3[%add3A_45, %dma_start3A_64] : memref<2560x128xi32, #tpu.memory_space<hbm>> -> memref<8x128xi32, #tpu.memory_space<hbm>>
        %dma_start3A_66 = arith.constant 0 : i32
        %dma_start3A_67 = tpu.memref_slice %arg3[%add3A_45, %dma_start3A_66] : memref<2560x128xi32, #tpu.memory_space<hbm>> -> memref<8x128xi32, #tpu.memory_space<hbm>>
        tpu.enqueue_dma source(%dma_start3A_67 : memref<8x128xi32, #tpu.memory_space<hbm>>) target(%arg7 : memref<8x128xi32, #tpu.memory_space<vmem>>) target_semaphore(%run_scoped3A : memref<!tpu.dma_semaphore, #tpu.memory_space<semaphore_mem>>)
        %dma_wait3A = arith.constant 0 : i32
        %dma_wait3A_68 = tpu.memref_slice %arg3[%add3A_45, %dma_wait3A] : memref<2560x128xi32, #tpu.memory_space<hbm>> -> memref<8x128xi32, #tpu.memory_space<hbm>>
        %dma_wait3A_69 = arith.constant 0 : i32
        %dma_wait3A_70 = tpu.memref_slice %arg3[%add3A_45, %dma_wait3A_69] : memref<2560x128xi32, #tpu.memory_space<hbm>> -> memref<8x128xi32, #tpu.memory_space<hbm>>
        tpu.wait_dma2 semaphore(%run_scoped3A : memref<!tpu.dma_semaphore, #tpu.memory_space<semaphore_mem>>) src(%dma_wait3A_70 : memref<8x128xi32, #tpu.memory_space<hbm>>) dst(%arg7 : memref<8x128xi32, #tpu.memory_space<vmem>>)
        tpu.yield
      }) : () -> ()
      "tpu.region"() ({
        %run_scoped3A = tpu.sem_alloc : memref<!tpu.dma_semaphore, #tpu.memory_space<semaphore_mem>>
        %dma_start3A_64 = arith.constant 0 : i32
        %dma_start3A_65 = tpu.memref_slice %arg4[%add3A_45, %dma_start3A_64] : memref<2560x128xi32, #tpu.memory_space<hbm>> -> memref<8x128xi32, #tpu.memory_space<hbm>>
        %dma_start3A_66 = arith.constant 0 : i32
        %dma_start3A_67 = tpu.memref_slice %arg4[%add3A_45, %dma_start3A_66] : memref<2560x128xi32, #tpu.memory_space<hbm>> -> memref<8x128xi32, #tpu.memory_space<hbm>>
        tpu.enqueue_dma source(%dma_start3A_67 : memref<8x128xi32, #tpu.memory_space<hbm>>) target(%arg8 : memref<8x128xi32, #tpu.memory_space<vmem>>) target_semaphore(%run_scoped3A : memref<!tpu.dma_semaphore, #tpu.memory_space<semaphore_mem>>)
        %dma_wait3A = arith.constant 0 : i32
        %dma_wait3A_68 = tpu.memref_slice %arg4[%add3A_45, %dma_wait3A] : memref<2560x128xi32, #tpu.memory_space<hbm>> -> memref<8x128xi32, #tpu.memory_space<hbm>>
        %dma_wait3A_69 = arith.constant 0 : i32
        %dma_wait3A_70 = tpu.memref_slice %arg4[%add3A_45, %dma_wait3A_69] : memref<2560x128xi32, #tpu.memory_space<hbm>> -> memref<8x128xi32, #tpu.memory_space<hbm>>
        tpu.wait_dma2 semaphore(%run_scoped3A : memref<!tpu.dma_semaphore, #tpu.memory_space<semaphore_mem>>) src(%dma_wait3A_70 : memref<8x128xi32, #tpu.memory_space<hbm>>) dst(%arg8 : memref<8x128xi32, #tpu.memory_space<vmem>>)
        tpu.yield
      }) : () -> ()
      %dma_start3A = arith.constant 0 : i32
      %dma_start3A_46 = arith.constant 0 : i32
      %dma_start3A_47 = tpu.memref_slice %arg7[%dma_start3A, %dma_start3A_46] : memref<8x128xi32, #tpu.memory_space<vmem>> -> memref<1x128xi32, #tpu.memory_space<vmem>>
      %dma_start3A_48 = tpu.memref_squeeze %dma_start3A_47 : memref<1x128xi32, #tpu.memory_space<vmem>> -> memref<128xi32, #tpu.memory_space<vmem>>
      %dma_start3A_49 = arith.constant 0 : i32
      %dma_start3A_50 = arith.constant 0 : i32
      %dma_start3A_51 = tpu.memref_slice %arg2[%dma_start3A_49, %dma_start3A_50] : memref<10000x128xf32, #tpu.memory_space<hbm>> -> memref<10000x128xf32, #tpu.memory_space<hbm>>
      tpu.enqueue_indirect_dma source(%dma_start3A_51 : memref<10000x128xf32, #tpu.memory_space<hbm>>) target(%arg9 : memref<128x128xf32, #tpu.memory_space<vmem>>) offsets(%dma_start3A_48 : memref<128xi32, #tpu.memory_space<vmem>>) semaphore(%arg12 : memref<!tpu.dma_semaphore, #tpu.memory_space<semaphore_mem>>)
      %dma_start3A_52 = arith.constant 1 : i32
      %dma_start3A_53 = arith.constant 0 : i32
      %dma_start3A_54 = tpu.memref_slice %arg7[%dma_start3A_52, %dma_start3A_53] : memref<8x128xi32, #tpu.memory_space<vmem>> -> memref<1x128xi32, #tpu.memory_space<vmem>>
      %dma_start3A_55 = tpu.memref_squeeze %dma_start3A_54 : memref<1x128xi32, #tpu.memory_space<vmem>> -> memref<128xi32, #tpu.memory_space<vmem>>
      %dma_start3A_56 = arith.constant 0 : i32
      %dma_start3A_57 = arith.constant 0 : i32
      %dma_start3A_58 = tpu.memref_slice %arg2[%dma_start3A_56, %dma_start3A_57] : memref<10000x128xf32, #tpu.memory_space<hbm>> -> memref<10000x128xf32, #tpu.memory_space<hbm>>
      tpu.enqueue_indirect_dma source(%dma_start3A_58 : memref<10000x128xf32, #tpu.memory_space<hbm>>) target(%arg10 : memref<128x128xf32, #tpu.memory_space<vmem>>) offsets(%dma_start3A_55 : memref<128xi32, #tpu.memory_space<vmem>>) semaphore(%arg13 : memref<!tpu.dma_semaphore, #tpu.memory_space<semaphore_mem>>)
      %scan3A = arith.constant 0 : i32
      %scan3A_59 = arith.constant 0 : i32
      %scan3A_60 = arith.constant 4 : i32
      %scan3A_61 = arith.addi %scan3A_59, %scan3A_60 : i32
      %scan3A_62 = arith.constant 1 : i32
      scf.for %scan3A_64 = %scan3A_59 to %scan3A_61 step %scan3A_62  : i32 {
        %mul3A_65 = arith.constant 2 : i32
        %mul3A_66 = arith.muli %scan3A_64, %mul3A_65 : i32
        %add3A_67 = arith.constant 0 : i32
        %add3A_68 = arith.addi %mul3A_66, %add3A_67 : i32
        %dma_wait3A = arith.constant 0 : i32
        %dma_wait3A_69 = tpu.memref_slice %arg7[%add3A_68, %dma_wait3A] : memref<8x128xi32, #tpu.memory_space<vmem>> -> memref<1x128xi32, #tpu.memory_space<vmem>>
        %dma_wait3A_70 = tpu.memref_squeeze %dma_wait3A_69 : memref<1x128xi32, #tpu.memory_space<vmem>> -> memref<128xi32, #tpu.memory_space<vmem>>
        %dma_wait3A_71 = arith.constant 0 : i32
        %dma_wait3A_72 = arith.constant 0 : i32
        %dma_wait3A_73 = tpu.memref_slice %arg2[%dma_wait3A_71, %dma_wait3A_72] : memref<10000x128xf32, #tpu.memory_space<hbm>> -> memref<10000x128xf32, #tpu.memory_space<hbm>>
        tpu.wait_indirect_dma semaphore(%arg12 : memref<!tpu.dma_semaphore, #tpu.memory_space<semaphore_mem>>) src(%dma_wait3A_73 : memref<10000x128xf32, #tpu.memory_space<hbm>>) dst(%arg9 : memref<128x128xf32, #tpu.memory_space<vmem>>)
        "tpu.region"() ({
          %run_scoped3A = tpu.sem_alloc : memref<!tpu.dma_semaphore, #tpu.memory_space<semaphore_mem>>
          %dma_start3A_93 = arith.constant 0 : i32
          %dma_start3A_94 = tpu.memref_slice %arg8[%add3A_68, %dma_start3A_93] : memref<8x128xi32, #tpu.memory_space<vmem>> -> memref<1x128xi32, #tpu.memory_space<vmem>>
          %dma_start3A_95 = tpu.memref_squeeze %dma_start3A_94 : memref<1x128xi32, #tpu.memory_space<vmem>> -> memref<128xi32, #tpu.memory_space<vmem>>
          %dma_start3A_96 = arith.constant 0 : i32
          %dma_start3A_97 = arith.constant 0 : i32
          %dma_start3A_98 = tpu.memref_slice %arg11[%dma_start3A_96, %dma_start3A_97] : memref<10240x128xf32, #tpu.memory_space<vmem_shared>> -> memref<10240x128xf32, #tpu.memory_space<vmem_shared>>
          tpu.enqueue_indirect_dma source(%arg9 : memref<128x128xf32, #tpu.memory_space<vmem>>) target(%dma_start3A_98 : memref<10240x128xf32, #tpu.memory_space<vmem_shared>>) offsets(%dma_start3A_95 : memref<128xi32, #tpu.memory_space<vmem>>) semaphore(%run_scoped3A : memref<!tpu.dma_semaphore, #tpu.memory_space<semaphore_mem>>) {add = true}
          %dma_wait3A_99 = arith.constant 0 : i32
          %dma_wait3A_100 = tpu.memref_slice %arg8[%add3A_68, %dma_wait3A_99] : memref<8x128xi32, #tpu.memory_space<vmem>> -> memref<1x128xi32, #tpu.memory_space<vmem>>
          %dma_wait3A_101 = tpu.memref_squeeze %dma_wait3A_100 : memref<1x128xi32, #tpu.memory_space<vmem>> -> memref<128xi32, #tpu.memory_space<vmem>>
          %dma_wait3A_102 = arith.constant 0 : i32
          %dma_wait3A_103 = arith.constant 0 : i32
          %dma_wait3A_104 = tpu.memref_slice %arg11[%dma_wait3A_102, %dma_wait3A_103] : memref<10240x128xf32, #tpu.memory_space<vmem_shared>> -> memref<10240x128xf32, #tpu.memory_space<vmem_shared>>
          tpu.wait_indirect_dma semaphore(%run_scoped3A : memref<!tpu.dma_semaphore, #tpu.memory_space<semaphore_mem>>) src(%arg9 : memref<128x128xf32, #tpu.memory_space<vmem>>) dst(%dma_wait3A_104 : memref<10240x128xf32, #tpu.memory_space<vmem_shared>>)
          tpu.yield
        }) : () -> ()
        %add3A_74 = arith.constant 2 : i32
        %add3A_75 = arith.addi %add3A_68, %add3A_74 : i32
        %lt3A = arith.constant 8 : i32
        %lt3A_76 = arith.cmpi slt, %add3A_75, %lt3A : i32
        %convert_element_type3A = arith.extui %lt3A_76 : i1 to i32
        %cond3A = arith.constant 0 : i32
        %cond3A_77 = arith.cmpi ne, %convert_element_type3A, %cond3A : i32
        scf.if %cond3A_77 {
          %add3A_93 = arith.constant 2 : i32
          %add3A_94 = arith.addi %add3A_68, %add3A_93 : i32
          %dma_start3A_95 = arith.constant 0 : i32
          %dma_start3A_96 = tpu.memref_slice %arg7[%add3A_94, %dma_start3A_95] : memref<8x128xi32, #tpu.memory_space<vmem>> -> memref<1x128xi32, #tpu.memory_space<vmem>>
          %dma_start3A_97 = tpu.memref_squeeze %dma_start3A_96 : memref<1x128xi32, #tpu.memory_space<vmem>> -> memref<128xi32, #tpu.memory_space<vmem>>
          %dma_start3A_98 = arith.constant 0 : i32
          %dma_start3A_99 = arith.constant 0 : i32
          %dma_start3A_100 = tpu.memref_slice %arg2[%dma_start3A_98, %dma_start3A_99] : memref<10000x128xf32, #tpu.memory_space<hbm>> -> memref<10000x128xf32, #tpu.memory_space<hbm>>
          tpu.enqueue_indirect_dma source(%dma_start3A_100 : memref<10000x128xf32, #tpu.memory_space<hbm>>) target(%arg9 : memref<128x128xf32, #tpu.memory_space<vmem>>) offsets(%dma_start3A_97 : memref<128xi32, #tpu.memory_space<vmem>>) semaphore(%arg12 : memref<!tpu.dma_semaphore, #tpu.memory_space<semaphore_mem>>)
        } else {
        }
        %add3A_78 = arith.constant 1 : i32
        %add3A_79 = arith.addi %mul3A_66, %add3A_78 : i32
        %dma_wait3A_80 = arith.constant 0 : i32
        %dma_wait3A_81 = tpu.memref_slice %arg7[%add3A_79, %dma_wait3A_80] : memref<8x128xi32, #tpu.memory_space<vmem>> -> memref<1x128xi32, #tpu.memory_space<vmem>>
        %dma_wait3A_82 = tpu.memref_squeeze %dma_wait3A_81 : memref<1x128xi32, #tpu.memory_space<vmem>> -> memref<128xi32, #tpu.memory_space<vmem>>
        %dma_wait3A_83 = arith.constant 0 : i32
        %dma_wait3A_84 = arith.constant 0 : i32
        %dma_wait3A_85 = tpu.memref_slice %arg2[%dma_wait3A_83, %dma_wait3A_84] : memref<10000x128xf32, #tpu.memory_space<hbm>> -> memref<10000x128xf32, #tpu.memory_space<hbm>>
        tpu.wait_indirect_dma semaphore(%arg13 : memref<!tpu.dma_semaphore, #tpu.memory_space<semaphore_mem>>) src(%dma_wait3A_85 : memref<10000x128xf32, #tpu.memory_space<hbm>>) dst(%arg10 : memref<128x128xf32, #tpu.memory_space<vmem>>)
        "tpu.region"() ({
          %run_scoped3A = tpu.sem_alloc : memref<!tpu.dma_semaphore, #tpu.memory_space<semaphore_mem>>
          %dma_start3A_93 = arith.constant 0 : i32
          %dma_start3A_94 = tpu.memref_slice %arg8[%add3A_79, %dma_start3A_93] : memref<8x128xi32, #tpu.memory_space<vmem>> -> memref<1x128xi32, #tpu.memory_space<vmem>>
          %dma_start3A_95 = tpu.memref_squeeze %dma_start3A_94 : memref<1x128xi32, #tpu.memory_space<vmem>> -> memref<128xi32, #tpu.memory_space<vmem>>
          %dma_start3A_96 = arith.constant 0 : i32
          %dma_start3A_97 = arith.constant 0 : i32
          %dma_start3A_98 = tpu.memref_slice %arg11[%dma_start3A_96, %dma_start3A_97] : memref<10240x128xf32, #tpu.memory_space<vmem_shared>> -> memref<10240x128xf32, #tpu.memory_space<vmem_shared>>
          tpu.enqueue_indirect_dma source(%arg10 : memref<128x128xf32, #tpu.memory_space<vmem>>) target(%dma_start3A_98 : memref<10240x128xf32, #tpu.memory_space<vmem_shared>>) offsets(%dma_start3A_95 : memref<128xi32, #tpu.memory_space<vmem>>) semaphore(%run_scoped3A : memref<!tpu.dma_semaphore, #tpu.memory_space<semaphore_mem>>) {add = true}
          %dma_wait3A_99 = arith.constant 0 : i32
          %dma_wait3A_100 = tpu.memref_slice %arg8[%add3A_79, %dma_wait3A_99] : memref<8x128xi32, #tpu.memory_space<vmem>> -> memref<1x128xi32, #tpu.memory_space<vmem>>
          %dma_wait3A_101 = tpu.memref_squeeze %dma_wait3A_100 : memref<1x128xi32, #tpu.memory_space<vmem>> -> memref<128xi32, #tpu.memory_space<vmem>>
          %dma_wait3A_102 = arith.constant 0 : i32
          %dma_wait3A_103 = arith.constant 0 : i32
          %dma_wait3A_104 = tpu.memref_slice %arg11[%dma_wait3A_102, %dma_wait3A_103] : memref<10240x128xf32, #tpu.memory_space<vmem_shared>> -> memref<10240x128xf32, #tpu.memory_space<vmem_shared>>
          tpu.wait_indirect_dma semaphore(%run_scoped3A : memref<!tpu.dma_semaphore, #tpu.memory_space<semaphore_mem>>) src(%arg10 : memref<128x128xf32, #tpu.memory_space<vmem>>) dst(%dma_wait3A_104 : memref<10240x128xf32, #tpu.memory_space<vmem_shared>>)
          tpu.yield
        }) : () -> ()
        %add3A_86 = arith.constant 2 : i32
        %add3A_87 = arith.addi %add3A_79, %add3A_86 : i32
        %lt3A_88 = arith.constant 8 : i32
        %lt3A_89 = arith.cmpi slt, %add3A_87, %lt3A_88 : i32
        %convert_element_type3A_90 = arith.extui %lt3A_89 : i1 to i32
        %cond3A_91 = arith.constant 0 : i32
        %cond3A_92 = arith.cmpi ne, %convert_element_type3A_90, %cond3A_91 : i32
        scf.if %cond3A_92 {
          %add3A_93 = arith.constant 2 : i32
          %add3A_94 = arith.addi %add3A_79, %add3A_93 : i32
          %dma_start3A_95 = arith.constant 0 : i32
          %dma_start3A_96 = tpu.memref_slice %arg7[%add3A_94, %dma_start3A_95] : memref<8x128xi32, #tpu.memory_space<vmem>> -> memref<1x128xi32, #tpu.memory_space<vmem>>
          %dma_start3A_97 = tpu.memref_squeeze %dma_start3A_96 : memref<1x128xi32, #tpu.memory_space<vmem>> -> memref<128xi32, #tpu.memory_space<vmem>>
          %dma_start3A_98 = arith.constant 0 : i32
          %dma_start3A_99 = arith.constant 0 : i32
          %dma_start3A_100 = tpu.memref_slice %arg2[%dma_start3A_98, %dma_start3A_99] : memref<10000x128xf32, #tpu.memory_space<hbm>> -> memref<10000x128xf32, #tpu.memory_space<hbm>>
          tpu.enqueue_indirect_dma source(%dma_start3A_100 : memref<10000x128xf32, #tpu.memory_space<hbm>>) target(%arg10 : memref<128x128xf32, #tpu.memory_space<vmem>>) offsets(%dma_start3A_97 : memref<128xi32, #tpu.memory_space<vmem>>) semaphore(%arg13 : memref<!tpu.dma_semaphore, #tpu.memory_space<semaphore_mem>>)
        } else {
        }
      }
      %scan3A_63 = arith.constant 4 : i32
    }
    %barrier3A_38 = arith.constant 0 : index
    tpu.barrier barrier_id(%barrier3A_38)
    %mul3A_39 = arith.constant 10240 : i32
    %mul3A_40 = arith.muli %arg0, %mul3A_39 : i32
    %add3A_41 = arith.addi %mul3A_40, %mul3A_0 : i32
    "tpu.region"() ({
      %run_scoped3A = tpu.sem_alloc : memref<!tpu.dma_semaphore, #tpu.memory_space<semaphore_mem>>
      %dma_start3A = arith.constant 0 : i32
      %dma_start3A_42 = tpu.memref_slice %arg6[%add3A_41, %dma_start3A] : memref<20480x128xf32, #tpu.memory_space<hbm>> -> memref<640x128xf32, #tpu.memory_space<hbm>>
      %dma_start3A_43 = arith.constant 0 : i32
      %dma_start3A_44 = tpu.memref_slice %arg11[%mul3A_0, %dma_start3A_43] : memref<10240x128xf32, #tpu.memory_space<vmem_shared>> -> memref<640x128xf32, #tpu.memory_space<vmem_shared>>
      tpu.enqueue_dma source(%dma_start3A_44 : memref<640x128xf32, #tpu.memory_space<vmem_shared>>) target(%dma_start3A_42 : memref<640x128xf32, #tpu.memory_space<hbm>>) target_semaphore(%run_scoped3A : memref<!tpu.dma_semaphore, #tpu.memory_space<semaphore_mem>>)
      %dma_wait3A = arith.constant 0 : i32
      %dma_wait3A_45 = tpu.memref_slice %arg6[%add3A_41, %dma_wait3A] : memref<20480x128xf32, #tpu.memory_space<hbm>> -> memref<640x128xf32, #tpu.memory_space<hbm>>
      %dma_wait3A_46 = arith.constant 0 : i32
      %dma_wait3A_47 = tpu.memref_slice %arg11[%mul3A_0, %dma_wait3A_46] : memref<10240x128xf32, #tpu.memory_space<vmem_shared>> -> memref<640x128xf32, #tpu.memory_space<vmem_shared>>
      tpu.wait_dma2 semaphore(%run_scoped3A : memref<!tpu.dma_semaphore, #tpu.memory_space<semaphore_mem>>) src(%dma_wait3A_47 : memref<640x128xf32, #tpu.memory_space<vmem_shared>>) dst(%dma_wait3A_45 : memref<640x128xf32, #tpu.memory_space<hbm>>)
      tpu.yield
    }) : () -> ()
    return
  }
}

#map = affine_map<(d0, d1) -> (0, 0)>
module attributes {stable_mosaic.version = 14 : i64} {
  func.func @_sc_edge_body(%arg0: i32, %arg1: i32, %arg2: memref<10000x128xf32, #tpu.memory_space<hbm>>, %arg3: memref<2560x128xi32, #tpu.memory_space<hbm>>, %arg4: memref<2560x128xi32, #tpu.memory_space<hbm>>, %arg5: memref<640x128xf32, #tpu.memory_space<hbm>>, %arg6: memref<20480x128xf32, #tpu.memory_space<hbm>>, %arg7: memref<8x128xi32, #tpu.memory_space<vmem>>, %arg8: memref<8x128xi32, #tpu.memory_space<vmem>>, %arg9: memref<128x128xf32, #tpu.memory_space<vmem>>, %arg10: memref<128x128xf32, #tpu.memory_space<vmem>>, %arg11: memref<10240x128xf32, #tpu.memory_space<vmem_shared>>, %arg12: memref<!tpu.dma_semaphore, #tpu.memory_space<semaphore_mem>>, %arg13: memref<!tpu.dma_semaphore, #tpu.memory_space<semaphore_mem>>) attributes {dimension_semantics = [#tpu.dimension_semantics<core_parallel>, #tpu.dimension_semantics<subcore_parallel>], iteration_bounds = array<i64: 2, 16>, scalar_prefetch = 0 : i64, scratch_operands = 7 : i64, tpu.core_type = #tpu.core_type<sc_vector_subcore>, window_params = [{transform_indices = #map}, {transform_indices = #map}, {transform_indices = #map}, {transform_indices = #map}, {transform_indices = #map}]} {
    %mul3A = arith.constant 640 : i32
    %mul3A_0 = arith.muli %arg1, %mul3A : i32
    "tpu.region"() ({
      %run_scoped3A = tpu.sem_alloc : memref<!tpu.dma_semaphore, #tpu.memory_space<semaphore_mem>>
      %dma_start3A = arith.constant 0 : i32
      %dma_start3A_42 = tpu.memref_slice %arg11[%mul3A_0, %dma_start3A] : memref<10240x128xf32, #tpu.memory_space<vmem_shared>> -> memref<640x128xf32, #tpu.memory_space<vmem_shared>>
      tpu.enqueue_dma source(%arg5 : memref<640x128xf32, #tpu.memory_space<hbm>>) target(%dma_start3A_42 : memref<640x128xf32, #tpu.memory_space<vmem_shared>>) target_semaphore(%run_scoped3A : memref<!tpu.dma_semaphore, #tpu.memory_space<semaphore_mem>>)
      %dma_wait3A = arith.constant 0 : i32
      %dma_wait3A_43 = tpu.memref_slice %arg11[%mul3A_0, %dma_wait3A] : memref<10240x128xf32, #tpu.memory_space<vmem_shared>> -> memref<640x128xf32, #tpu.memory_space<vmem_shared>>
      tpu.wait_dma2 semaphore(%run_scoped3A : memref<!tpu.dma_semaphore, #tpu.memory_space<semaphore_mem>>) src(%arg5 : memref<640x128xf32, #tpu.memory_space<hbm>>) dst(%dma_wait3A_43 : memref<640x128xf32, #tpu.memory_space<vmem_shared>>)
      tpu.yield
    }) : () -> ()
    %eq3A = arith.constant 0 : i32
    %eq3A_1 = arith.cmpi eq, %arg0, %eq3A : i32
    %jit3A = arith.constant 152 : i32
    %jit3A_2 = arith.constant 8 : i32
    %select_n3A = arith.select %eq3A_1, %jit3A, %jit3A_2 : i32
    %eq3A_3 = arith.constant 0 : i32
    %eq3A_4 = arith.cmpi eq, %arg0, %eq3A_3 : i32
    %mul3A_5 = arith.constant 152 : i32
    %mul3A_6 = arith.muli %arg1, %mul3A_5 : i32
    %mul3A_7 = arith.constant 8 : i32
    %mul3A_8 = arith.muli %arg1, %mul3A_7 : i32
    %add3A = arith.constant 2432 : i32
    %add3A_9 = arith.addi %add3A, %mul3A_8 : i32
    %select_n3A_10 = arith.select %eq3A_4, %mul3A_6, %add3A_9 : i32
    %barrier3A = arith.constant 0 : index
    tpu.barrier barrier_id(%barrier3A)
    %jit3A_11 = arith.constant 8 : i32
    %div3A = arith.divsi %select_n3A, %jit3A_11 : i32
    %sign3A = arith.constant 0 : i32
    %sign3A_12 = arith.cmpi sgt, %select_n3A, %sign3A : i32
    %sign3A_13 = arith.extui %sign3A_12 : i1 to i32
    %sign3A_14 = arith.constant 0 : i32
    %sign3A_15 = arith.cmpi slt, %select_n3A, %sign3A_14 : i32
    %sign3A_16 = arith.extui %sign3A_15 : i1 to i32
    %sign3A_17 = arith.subi %sign3A_13, %sign3A_16 : i32
    %sign3A_18 = arith.constant 0 : i32
    %sign3A_19 = arith.cmpi sgt, %jit3A_11, %sign3A_18 : i32
    %sign3A_20 = arith.extui %sign3A_19 : i1 to i32
    %sign3A_21 = arith.constant 0 : i32
    %sign3A_22 = arith.cmpi slt, %jit3A_11, %sign3A_21 : i32
    %sign3A_23 = arith.extui %sign3A_22 : i1 to i32
    %sign3A_24 = arith.subi %sign3A_20, %sign3A_23 : i32
    %ne3A = arith.cmpi ne, %sign3A_17, %sign3A_24 : i32
    %rem3A = arith.remsi %select_n3A, %jit3A_11 : i32
    %ne3A_25 = arith.constant 0 : i32
    %ne3A_26 = arith.cmpi ne, %rem3A, %ne3A_25 : i32
    %and3A = arith.andi %ne3A, %ne3A_26 : i1
    %sub3A = arith.constant 1 : i32
    %sub3A_27 = arith.subi %div3A, %sub3A : i32
    %select_n3A_28 = arith.select %and3A, %sub3A_27, %div3A : i32
    %while3A = arith.constant 0 : i32
    %while3A_29 = arith.constant 0 : i32
    %while3A_30 = arith.subi %select_n3A_28, %while3A_29 : i32
    %while3A_31 = arith.addi %while3A_29, %while3A_30 : i32
    %while3A_32 = arith.constant 1 : i32
    %while3A_33 = arith.divsi %while3A_30, %while3A_32 : i32
    %while3A_34 = arith.muli %while3A_33, %while3A_32 : i32
    %while3A_35 = arith.addi %while3A_29, %while3A_34 : i32
    %while3A_36 = arith.constant 1 : i32
    scf.for %while3A_42 = %while3A_29 to %while3A_35 step %while3A_36  : i32 {
      %mul3A_43 = arith.constant 8 : i32
      %mul3A_44 = arith.muli %while3A_42, %mul3A_43 : i32
      %add3A_45 = arith.addi %select_n3A_10, %mul3A_44 : i32
      "tpu.region"() ({
        %run_scoped3A = tpu.sem_alloc : memref<!tpu.dma_semaphore, #tpu.memory_space<semaphore_mem>>
        %dma_start3A_64 = arith.constant 0 : i32
        %dma_start3A_65 = tpu.memref_slice %arg3[%add3A_45, %dma_start3A_64] : memref<2560x128xi32, #tpu.memory_space<hbm>> -> memref<8x128xi32, #tpu.memory_space<hbm>>
        %dma_start3A_66 = arith.constant 0 : i32
        %dma_start3A_67 = tpu.memref_slice %arg3[%add3A_45, %dma_start3A_66] : memref<2560x128xi32, #tpu.memory_space<hbm>> -> memref<8x128xi32, #tpu.memory_space<hbm>>
        tpu.enqueue_dma source(%dma_start3A_67 : memref<8x128xi32, #tpu.memory_space<hbm>>) target(%arg7 : memref<8x128xi32, #tpu.memory_space<vmem>>) target_semaphore(%run_scoped3A : memref<!tpu.dma_semaphore, #tpu.memory_space<semaphore_mem>>)
        %dma_wait3A = arith.constant 0 : i32
        %dma_wait3A_68 = tpu.memref_slice %arg3[%add3A_45, %dma_wait3A] : memref<2560x128xi32, #tpu.memory_space<hbm>> -> memref<8x128xi32, #tpu.memory_space<hbm>>
        %dma_wait3A_69 = arith.constant 0 : i32
        %dma_wait3A_70 = tpu.memref_slice %arg3[%add3A_45, %dma_wait3A_69] : memref<2560x128xi32, #tpu.memory_space<hbm>> -> memref<8x128xi32, #tpu.memory_space<hbm>>
        tpu.wait_dma2 semaphore(%run_scoped3A : memref<!tpu.dma_semaphore, #tpu.memory_space<semaphore_mem>>) src(%dma_wait3A_70 : memref<8x128xi32, #tpu.memory_space<hbm>>) dst(%arg7 : memref<8x128xi32, #tpu.memory_space<vmem>>)
        tpu.yield
      }) : () -> ()
      "tpu.region"() ({
        %run_scoped3A = tpu.sem_alloc : memref<!tpu.dma_semaphore, #tpu.memory_space<semaphore_mem>>
        %dma_start3A_64 = arith.constant 0 : i32
        %dma_start3A_65 = tpu.memref_slice %arg4[%add3A_45, %dma_start3A_64] : memref<2560x128xi32, #tpu.memory_space<hbm>> -> memref<8x128xi32, #tpu.memory_space<hbm>>
        %dma_start3A_66 = arith.constant 0 : i32
        %dma_start3A_67 = tpu.memref_slice %arg4[%add3A_45, %dma_start3A_66] : memref<2560x128xi32, #tpu.memory_space<hbm>> -> memref<8x128xi32, #tpu.memory_space<hbm>>
        tpu.enqueue_dma source(%dma_start3A_67 : memref<8x128xi32, #tpu.memory_space<hbm>>) target(%arg8 : memref<8x128xi32, #tpu.memory_space<vmem>>) target_semaphore(%run_scoped3A : memref<!tpu.dma_semaphore, #tpu.memory_space<semaphore_mem>>)
        %dma_wait3A = arith.constant 0 : i32
        %dma_wait3A_68 = tpu.memref_slice %arg4[%add3A_45, %dma_wait3A] : memref<2560x128xi32, #tpu.memory_space<hbm>> -> memref<8x128xi32, #tpu.memory_space<hbm>>
        %dma_wait3A_69 = arith.constant 0 : i32
        %dma_wait3A_70 = tpu.memref_slice %arg4[%add3A_45, %dma_wait3A_69] : memref<2560x128xi32, #tpu.memory_space<hbm>> -> memref<8x128xi32, #tpu.memory_space<hbm>>
        tpu.wait_dma2 semaphore(%run_scoped3A : memref<!tpu.dma_semaphore, #tpu.memory_space<semaphore_mem>>) src(%dma_wait3A_70 : memref<8x128xi32, #tpu.memory_space<hbm>>) dst(%arg8 : memref<8x128xi32, #tpu.memory_space<vmem>>)
        tpu.yield
      }) : () -> ()
      %dma_start3A = arith.constant 0 : i32
      %dma_start3A_46 = arith.constant 0 : i32
      %dma_start3A_47 = tpu.memref_slice %arg7[%dma_start3A, %dma_start3A_46] : memref<8x128xi32, #tpu.memory_space<vmem>> -> memref<1x128xi32, #tpu.memory_space<vmem>>
      %dma_start3A_48 = tpu.memref_squeeze %dma_start3A_47 : memref<1x128xi32, #tpu.memory_space<vmem>> -> memref<128xi32, #tpu.memory_space<vmem>>
      %dma_start3A_49 = arith.constant 0 : i32
      %dma_start3A_50 = arith.constant 0 : i32
      %dma_start3A_51 = tpu.memref_slice %arg2[%dma_start3A_49, %dma_start3A_50] : memref<10000x128xf32, #tpu.memory_space<hbm>> -> memref<10000x128xf32, #tpu.memory_space<hbm>>
      tpu.enqueue_indirect_dma source(%dma_start3A_51 : memref<10000x128xf32, #tpu.memory_space<hbm>>) target(%arg9 : memref<128x128xf32, #tpu.memory_space<vmem>>) offsets(%dma_start3A_48 : memref<128xi32, #tpu.memory_space<vmem>>) semaphore(%arg12 : memref<!tpu.dma_semaphore, #tpu.memory_space<semaphore_mem>>)
      %dma_start3A_52 = arith.constant 1 : i32
      %dma_start3A_53 = arith.constant 0 : i32
      %dma_start3A_54 = tpu.memref_slice %arg7[%dma_start3A_52, %dma_start3A_53] : memref<8x128xi32, #tpu.memory_space<vmem>> -> memref<1x128xi32, #tpu.memory_space<vmem>>
      %dma_start3A_55 = tpu.memref_squeeze %dma_start3A_54 : memref<1x128xi32, #tpu.memory_space<vmem>> -> memref<128xi32, #tpu.memory_space<vmem>>
      %dma_start3A_56 = arith.constant 0 : i32
      %dma_start3A_57 = arith.constant 0 : i32
      %dma_start3A_58 = tpu.memref_slice %arg2[%dma_start3A_56, %dma_start3A_57] : memref<10000x128xf32, #tpu.memory_space<hbm>> -> memref<10000x128xf32, #tpu.memory_space<hbm>>
      tpu.enqueue_indirect_dma source(%dma_start3A_58 : memref<10000x128xf32, #tpu.memory_space<hbm>>) target(%arg10 : memref<128x128xf32, #tpu.memory_space<vmem>>) offsets(%dma_start3A_55 : memref<128xi32, #tpu.memory_space<vmem>>) semaphore(%arg13 : memref<!tpu.dma_semaphore, #tpu.memory_space<semaphore_mem>>)
      %scan3A = arith.constant 0 : i32
      %scan3A_59 = arith.constant 0 : i32
      %scan3A_60 = arith.constant 4 : i32
      %scan3A_61 = arith.addi %scan3A_59, %scan3A_60 : i32
      %scan3A_62 = arith.constant 1 : i32
      scf.for %scan3A_64 = %scan3A_59 to %scan3A_61 step %scan3A_62  : i32 {
        %mul3A_65 = arith.constant 2 : i32
        %mul3A_66 = arith.muli %scan3A_64, %mul3A_65 : i32
        %add3A_67 = arith.constant 0 : i32
        %add3A_68 = arith.addi %mul3A_66, %add3A_67 : i32
        %dma_wait3A = arith.constant 0 : i32
        %dma_wait3A_69 = tpu.memref_slice %arg7[%add3A_68, %dma_wait3A] : memref<8x128xi32, #tpu.memory_space<vmem>> -> memref<1x128xi32, #tpu.memory_space<vmem>>
        %dma_wait3A_70 = tpu.memref_squeeze %dma_wait3A_69 : memref<1x128xi32, #tpu.memory_space<vmem>> -> memref<128xi32, #tpu.memory_space<vmem>>
        %dma_wait3A_71 = arith.constant 0 : i32
        %dma_wait3A_72 = arith.constant 0 : i32
        %dma_wait3A_73 = tpu.memref_slice %arg2[%dma_wait3A_71, %dma_wait3A_72] : memref<10000x128xf32, #tpu.memory_space<hbm>> -> memref<10000x128xf32, #tpu.memory_space<hbm>>
        tpu.wait_indirect_dma semaphore(%arg12 : memref<!tpu.dma_semaphore, #tpu.memory_space<semaphore_mem>>) src(%dma_wait3A_73 : memref<10000x128xf32, #tpu.memory_space<hbm>>) dst(%arg9 : memref<128x128xf32, #tpu.memory_space<vmem>>)
        "tpu.region"() ({
          %run_scoped3A = tpu.sem_alloc : memref<!tpu.dma_semaphore, #tpu.memory_space<semaphore_mem>>
          %dma_start3A_93 = arith.constant 0 : i32
          %dma_start3A_94 = tpu.memref_slice %arg8[%add3A_68, %dma_start3A_93] : memref<8x128xi32, #tpu.memory_space<vmem>> -> memref<1x128xi32, #tpu.memory_space<vmem>>
          %dma_start3A_95 = tpu.memref_squeeze %dma_start3A_94 : memref<1x128xi32, #tpu.memory_space<vmem>> -> memref<128xi32, #tpu.memory_space<vmem>>
          %dma_start3A_96 = arith.constant 0 : i32
          %dma_start3A_97 = arith.constant 0 : i32
          %dma_start3A_98 = tpu.memref_slice %arg11[%dma_start3A_96, %dma_start3A_97] : memref<10240x128xf32, #tpu.memory_space<vmem_shared>> -> memref<10240x128xf32, #tpu.memory_space<vmem_shared>>
          tpu.enqueue_indirect_dma source(%arg9 : memref<128x128xf32, #tpu.memory_space<vmem>>) target(%dma_start3A_98 : memref<10240x128xf32, #tpu.memory_space<vmem_shared>>) offsets(%dma_start3A_95 : memref<128xi32, #tpu.memory_space<vmem>>) semaphore(%run_scoped3A : memref<!tpu.dma_semaphore, #tpu.memory_space<semaphore_mem>>) {add = true}
          %dma_wait3A_99 = arith.constant 0 : i32
          %dma_wait3A_100 = tpu.memref_slice %arg8[%add3A_68, %dma_wait3A_99] : memref<8x128xi32, #tpu.memory_space<vmem>> -> memref<1x128xi32, #tpu.memory_space<vmem>>
          %dma_wait3A_101 = tpu.memref_squeeze %dma_wait3A_100 : memref<1x128xi32, #tpu.memory_space<vmem>> -> memref<128xi32, #tpu.memory_space<vmem>>
          %dma_wait3A_102 = arith.constant 0 : i32
          %dma_wait3A_103 = arith.constant 0 : i32
          %dma_wait3A_104 = tpu.memref_slice %arg11[%dma_wait3A_102, %dma_wait3A_103] : memref<10240x128xf32, #tpu.memory_space<vmem_shared>> -> memref<10240x128xf32, #tpu.memory_space<vmem_shared>>
          tpu.wait_indirect_dma semaphore(%run_scoped3A : memref<!tpu.dma_semaphore, #tpu.memory_space<semaphore_mem>>) src(%arg9 : memref<128x128xf32, #tpu.memory_space<vmem>>) dst(%dma_wait3A_104 : memref<10240x128xf32, #tpu.memory_space<vmem_shared>>)
          tpu.yield
        }) : () -> ()
        %add3A_74 = arith.constant 2 : i32
        %add3A_75 = arith.addi %add3A_68, %add3A_74 : i32
        %lt3A = arith.constant 8 : i32
        %lt3A_76 = arith.cmpi slt, %add3A_75, %lt3A : i32
        %convert_element_type3A = arith.extui %lt3A_76 : i1 to i32
        %cond3A = arith.constant 0 : i32
        %cond3A_77 = arith.cmpi ne, %convert_element_type3A, %cond3A : i32
        scf.if %cond3A_77 {
          %add3A_93 = arith.constant 2 : i32
          %add3A_94 = arith.addi %add3A_68, %add3A_93 : i32
          %dma_start3A_95 = arith.constant 0 : i32
          %dma_start3A_96 = tpu.memref_slice %arg7[%add3A_94, %dma_start3A_95] : memref<8x128xi32, #tpu.memory_space<vmem>> -> memref<1x128xi32, #tpu.memory_space<vmem>>
          %dma_start3A_97 = tpu.memref_squeeze %dma_start3A_96 : memref<1x128xi32, #tpu.memory_space<vmem>> -> memref<128xi32, #tpu.memory_space<vmem>>
          %dma_start3A_98 = arith.constant 0 : i32
          %dma_start3A_99 = arith.constant 0 : i32
          %dma_start3A_100 = tpu.memref_slice %arg2[%dma_start3A_98, %dma_start3A_99] : memref<10000x128xf32, #tpu.memory_space<hbm>> -> memref<10000x128xf32, #tpu.memory_space<hbm>>
          tpu.enqueue_indirect_dma source(%dma_start3A_100 : memref<10000x128xf32, #tpu.memory_space<hbm>>) target(%arg9 : memref<128x128xf32, #tpu.memory_space<vmem>>) offsets(%dma_start3A_97 : memref<128xi32, #tpu.memory_space<vmem>>) semaphore(%arg12 : memref<!tpu.dma_semaphore, #tpu.memory_space<semaphore_mem>>)
        } else {
        }
        %add3A_78 = arith.constant 1 : i32
        %add3A_79 = arith.addi %mul3A_66, %add3A_78 : i32
        %dma_wait3A_80 = arith.constant 0 : i32
        %dma_wait3A_81 = tpu.memref_slice %arg7[%add3A_79, %dma_wait3A_80] : memref<8x128xi32, #tpu.memory_space<vmem>> -> memref<1x128xi32, #tpu.memory_space<vmem>>
        %dma_wait3A_82 = tpu.memref_squeeze %dma_wait3A_81 : memref<1x128xi32, #tpu.memory_space<vmem>> -> memref<128xi32, #tpu.memory_space<vmem>>
        %dma_wait3A_83 = arith.constant 0 : i32
        %dma_wait3A_84 = arith.constant 0 : i32
        %dma_wait3A_85 = tpu.memref_slice %arg2[%dma_wait3A_83, %dma_wait3A_84] : memref<10000x128xf32, #tpu.memory_space<hbm>> -> memref<10000x128xf32, #tpu.memory_space<hbm>>
        tpu.wait_indirect_dma semaphore(%arg13 : memref<!tpu.dma_semaphore, #tpu.memory_space<semaphore_mem>>) src(%dma_wait3A_85 : memref<10000x128xf32, #tpu.memory_space<hbm>>) dst(%arg10 : memref<128x128xf32, #tpu.memory_space<vmem>>)
        "tpu.region"() ({
          %run_scoped3A = tpu.sem_alloc : memref<!tpu.dma_semaphore, #tpu.memory_space<semaphore_mem>>
          %dma_start3A_93 = arith.constant 0 : i32
          %dma_start3A_94 = tpu.memref_slice %arg8[%add3A_79, %dma_start3A_93] : memref<8x128xi32, #tpu.memory_space<vmem>> -> memref<1x128xi32, #tpu.memory_space<vmem>>
          %dma_start3A_95 = tpu.memref_squeeze %dma_start3A_94 : memref<1x128xi32, #tpu.memory_space<vmem>> -> memref<128xi32, #tpu.memory_space<vmem>>
          %dma_start3A_96 = arith.constant 0 : i32
          %dma_start3A_97 = arith.constant 0 : i32
          %dma_start3A_98 = tpu.memref_slice %arg11[%dma_start3A_96, %dma_start3A_97] : memref<10240x128xf32, #tpu.memory_space<vmem_shared>> -> memref<10240x128xf32, #tpu.memory_space<vmem_shared>>
          tpu.enqueue_indirect_dma source(%arg10 : memref<128x128xf32, #tpu.memory_space<vmem>>) target(%dma_start3A_98 : memref<10240x128xf32, #tpu.memory_space<vmem_shared>>) offsets(%dma_start3A_95 : memref<128xi32, #tpu.memory_space<vmem>>) semaphore(%run_scoped3A : memref<!tpu.dma_semaphore, #tpu.memory_space<semaphore_mem>>) {add = true}
          %dma_wait3A_99 = arith.constant 0 : i32
          %dma_wait3A_100 = tpu.memref_slice %arg8[%add3A_79, %dma_wait3A_99] : memref<8x128xi32, #tpu.memory_space<vmem>> -> memref<1x128xi32, #tpu.memory_space<vmem>>
          %dma_wait3A_101 = tpu.memref_squeeze %dma_wait3A_100 : memref<1x128xi32, #tpu.memory_space<vmem>> -> memref<128xi32, #tpu.memory_space<vmem>>
          %dma_wait3A_102 = arith.constant 0 : i32
          %dma_wait3A_103 = arith.constant 0 : i32
          %dma_wait3A_104 = tpu.memref_slice %arg11[%dma_wait3A_102, %dma_wait3A_103] : memref<10240x128xf32, #tpu.memory_space<vmem_shared>> -> memref<10240x128xf32, #tpu.memory_space<vmem_shared>>
          tpu.wait_indirect_dma semaphore(%run_scoped3A : memref<!tpu.dma_semaphore, #tpu.memory_space<semaphore_mem>>) src(%arg10 : memref<128x128xf32, #tpu.memory_space<vmem>>) dst(%dma_wait3A_104 : memref<10240x128xf32, #tpu.memory_space<vmem_shared>>)
          tpu.yield
        }) : () -> ()
        %add3A_86 = arith.constant 2 : i32
        %add3A_87 = arith.addi %add3A_79, %add3A_86 : i32
        %lt3A_88 = arith.constant 8 : i32
        %lt3A_89 = arith.cmpi slt, %add3A_87, %lt3A_88 : i32
        %convert_element_type3A_90 = arith.extui %lt3A_89 : i1 to i32
        %cond3A_91 = arith.constant 0 : i32
        %cond3A_92 = arith.cmpi ne, %convert_element_type3A_90, %cond3A_91 : i32
        scf.if %cond3A_92 {
          %add3A_93 = arith.constant 2 : i32
          %add3A_94 = arith.addi %add3A_79, %add3A_93 : i32
          %dma_start3A_95 = arith.constant 0 : i32
          %dma_start3A_96 = tpu.memref_slice %arg7[%add3A_94, %dma_start3A_95] : memref<8x128xi32, #tpu.memory_space<vmem>> -> memref<1x128xi32, #tpu.memory_space<vmem>>
          %dma_start3A_97 = tpu.memref_squeeze %dma_start3A_96 : memref<1x128xi32, #tpu.memory_space<vmem>> -> memref<128xi32, #tpu.memory_space<vmem>>
          %dma_start3A_98 = arith.constant 0 : i32
          %dma_start3A_99 = arith.constant 0 : i32
          %dma_start3A_100 = tpu.memref_slice %arg2[%dma_start3A_98, %dma_start3A_99] : memref<10000x128xf32, #tpu.memory_space<hbm>> -> memref<10000x128xf32, #tpu.memory_space<hbm>>
          tpu.enqueue_indirect_dma source(%dma_start3A_100 : memref<10000x128xf32, #tpu.memory_space<hbm>>) target(%arg10 : memref<128x128xf32, #tpu.memory_space<vmem>>) offsets(%dma_start3A_97 : memref<128xi32, #tpu.memory_space<vmem>>) semaphore(%arg13 : memref<!tpu.dma_semaphore, #tpu.memory_space<semaphore_mem>>)
        } else {
        }
      }
      %scan3A_63 = arith.constant 4 : i32
    }
    %while3A_37 = arith.constant 1 : i32
    scf.for %while3A_42 = %while3A_35 to %while3A_31 step %while3A_37  : i32 {
      %mul3A_43 = arith.constant 8 : i32
      %mul3A_44 = arith.muli %while3A_42, %mul3A_43 : i32
      %add3A_45 = arith.addi %select_n3A_10, %mul3A_44 : i32
      "tpu.region"() ({
        %run_scoped3A = tpu.sem_alloc : memref<!tpu.dma_semaphore, #tpu.memory_space<semaphore_mem>>
        %dma_start3A_64 = arith.constant 0 : i32
        %dma_start3A_65 = tpu.memref_slice %arg3[%add3A_45, %dma_start3A_64] : memref<2560x128xi32, #tpu.memory_space<hbm>> -> memref<8x128xi32, #tpu.memory_space<hbm>>
        %dma_start3A_66 = arith.constant 0 : i32
        %dma_start3A_67 = tpu.memref_slice %arg3[%add3A_45, %dma_start3A_66] : memref<2560x128xi32, #tpu.memory_space<hbm>> -> memref<8x128xi32, #tpu.memory_space<hbm>>
        tpu.enqueue_dma source(%dma_start3A_67 : memref<8x128xi32, #tpu.memory_space<hbm>>) target(%arg7 : memref<8x128xi32, #tpu.memory_space<vmem>>) target_semaphore(%run_scoped3A : memref<!tpu.dma_semaphore, #tpu.memory_space<semaphore_mem>>)
        %dma_wait3A = arith.constant 0 : i32
        %dma_wait3A_68 = tpu.memref_slice %arg3[%add3A_45, %dma_wait3A] : memref<2560x128xi32, #tpu.memory_space<hbm>> -> memref<8x128xi32, #tpu.memory_space<hbm>>
        %dma_wait3A_69 = arith.constant 0 : i32
        %dma_wait3A_70 = tpu.memref_slice %arg3[%add3A_45, %dma_wait3A_69] : memref<2560x128xi32, #tpu.memory_space<hbm>> -> memref<8x128xi32, #tpu.memory_space<hbm>>
        tpu.wait_dma2 semaphore(%run_scoped3A : memref<!tpu.dma_semaphore, #tpu.memory_space<semaphore_mem>>) src(%dma_wait3A_70 : memref<8x128xi32, #tpu.memory_space<hbm>>) dst(%arg7 : memref<8x128xi32, #tpu.memory_space<vmem>>)
        tpu.yield
      }) : () -> ()
      "tpu.region"() ({
        %run_scoped3A = tpu.sem_alloc : memref<!tpu.dma_semaphore, #tpu.memory_space<semaphore_mem>>
        %dma_start3A_64 = arith.constant 0 : i32
        %dma_start3A_65 = tpu.memref_slice %arg4[%add3A_45, %dma_start3A_64] : memref<2560x128xi32, #tpu.memory_space<hbm>> -> memref<8x128xi32, #tpu.memory_space<hbm>>
        %dma_start3A_66 = arith.constant 0 : i32
        %dma_start3A_67 = tpu.memref_slice %arg4[%add3A_45, %dma_start3A_66] : memref<2560x128xi32, #tpu.memory_space<hbm>> -> memref<8x128xi32, #tpu.memory_space<hbm>>
        tpu.enqueue_dma source(%dma_start3A_67 : memref<8x128xi32, #tpu.memory_space<hbm>>) target(%arg8 : memref<8x128xi32, #tpu.memory_space<vmem>>) target_semaphore(%run_scoped3A : memref<!tpu.dma_semaphore, #tpu.memory_space<semaphore_mem>>)
        %dma_wait3A = arith.constant 0 : i32
        %dma_wait3A_68 = tpu.memref_slice %arg4[%add3A_45, %dma_wait3A] : memref<2560x128xi32, #tpu.memory_space<hbm>> -> memref<8x128xi32, #tpu.memory_space<hbm>>
        %dma_wait3A_69 = arith.constant 0 : i32
        %dma_wait3A_70 = tpu.memref_slice %arg4[%add3A_45, %dma_wait3A_69] : memref<2560x128xi32, #tpu.memory_space<hbm>> -> memref<8x128xi32, #tpu.memory_space<hbm>>
        tpu.wait_dma2 semaphore(%run_scoped3A : memref<!tpu.dma_semaphore, #tpu.memory_space<semaphore_mem>>) src(%dma_wait3A_70 : memref<8x128xi32, #tpu.memory_space<hbm>>) dst(%arg8 : memref<8x128xi32, #tpu.memory_space<vmem>>)
        tpu.yield
      }) : () -> ()
      %dma_start3A = arith.constant 0 : i32
      %dma_start3A_46 = arith.constant 0 : i32
      %dma_start3A_47 = tpu.memref_slice %arg7[%dma_start3A, %dma_start3A_46] : memref<8x128xi32, #tpu.memory_space<vmem>> -> memref<1x128xi32, #tpu.memory_space<vmem>>
      %dma_start3A_48 = tpu.memref_squeeze %dma_start3A_47 : memref<1x128xi32, #tpu.memory_space<vmem>> -> memref<128xi32, #tpu.memory_space<vmem>>
      %dma_start3A_49 = arith.constant 0 : i32
      %dma_start3A_50 = arith.constant 0 : i32
      %dma_start3A_51 = tpu.memref_slice %arg2[%dma_start3A_49, %dma_start3A_50] : memref<10000x128xf32, #tpu.memory_space<hbm>> -> memref<10000x128xf32, #tpu.memory_space<hbm>>
      tpu.enqueue_indirect_dma source(%dma_start3A_51 : memref<10000x128xf32, #tpu.memory_space<hbm>>) target(%arg9 : memref<128x128xf32, #tpu.memory_space<vmem>>) offsets(%dma_start3A_48 : memref<128xi32, #tpu.memory_space<vmem>>) semaphore(%arg12 : memref<!tpu.dma_semaphore, #tpu.memory_space<semaphore_mem>>)
      %dma_start3A_52 = arith.constant 1 : i32
      %dma_start3A_53 = arith.constant 0 : i32
      %dma_start3A_54 = tpu.memref_slice %arg7[%dma_start3A_52, %dma_start3A_53] : memref<8x128xi32, #tpu.memory_space<vmem>> -> memref<1x128xi32, #tpu.memory_space<vmem>>
      %dma_start3A_55 = tpu.memref_squeeze %dma_start3A_54 : memref<1x128xi32, #tpu.memory_space<vmem>> -> memref<128xi32, #tpu.memory_space<vmem>>
      %dma_start3A_56 = arith.constant 0 : i32
      %dma_start3A_57 = arith.constant 0 : i32
      %dma_start3A_58 = tpu.memref_slice %arg2[%dma_start3A_56, %dma_start3A_57] : memref<10000x128xf32, #tpu.memory_space<hbm>> -> memref<10000x128xf32, #tpu.memory_space<hbm>>
      tpu.enqueue_indirect_dma source(%dma_start3A_58 : memref<10000x128xf32, #tpu.memory_space<hbm>>) target(%arg10 : memref<128x128xf32, #tpu.memory_space<vmem>>) offsets(%dma_start3A_55 : memref<128xi32, #tpu.memory_space<vmem>>) semaphore(%arg13 : memref<!tpu.dma_semaphore, #tpu.memory_space<semaphore_mem>>)
      %scan3A = arith.constant 0 : i32
      %scan3A_59 = arith.constant 0 : i32
      %scan3A_60 = arith.constant 4 : i32
      %scan3A_61 = arith.addi %scan3A_59, %scan3A_60 : i32
      %scan3A_62 = arith.constant 1 : i32
      scf.for %scan3A_64 = %scan3A_59 to %scan3A_61 step %scan3A_62  : i32 {
        %mul3A_65 = arith.constant 2 : i32
        %mul3A_66 = arith.muli %scan3A_64, %mul3A_65 : i32
        %add3A_67 = arith.constant 0 : i32
        %add3A_68 = arith.addi %mul3A_66, %add3A_67 : i32
        %dma_wait3A = arith.constant 0 : i32
        %dma_wait3A_69 = tpu.memref_slice %arg7[%add3A_68, %dma_wait3A] : memref<8x128xi32, #tpu.memory_space<vmem>> -> memref<1x128xi32, #tpu.memory_space<vmem>>
        %dma_wait3A_70 = tpu.memref_squeeze %dma_wait3A_69 : memref<1x128xi32, #tpu.memory_space<vmem>> -> memref<128xi32, #tpu.memory_space<vmem>>
        %dma_wait3A_71 = arith.constant 0 : i32
        %dma_wait3A_72 = arith.constant 0 : i32
        %dma_wait3A_73 = tpu.memref_slice %arg2[%dma_wait3A_71, %dma_wait3A_72] : memref<10000x128xf32, #tpu.memory_space<hbm>> -> memref<10000x128xf32, #tpu.memory_space<hbm>>
        tpu.wait_indirect_dma semaphore(%arg12 : memref<!tpu.dma_semaphore, #tpu.memory_space<semaphore_mem>>) src(%dma_wait3A_73 : memref<10000x128xf32, #tpu.memory_space<hbm>>) dst(%arg9 : memref<128x128xf32, #tpu.memory_space<vmem>>)
        "tpu.region"() ({
          %run_scoped3A = tpu.sem_alloc : memref<!tpu.dma_semaphore, #tpu.memory_space<semaphore_mem>>
          %dma_start3A_93 = arith.constant 0 : i32
          %dma_start3A_94 = tpu.memref_slice %arg8[%add3A_68, %dma_start3A_93] : memref<8x128xi32, #tpu.memory_space<vmem>> -> memref<1x128xi32, #tpu.memory_space<vmem>>
          %dma_start3A_95 = tpu.memref_squeeze %dma_start3A_94 : memref<1x128xi32, #tpu.memory_space<vmem>> -> memref<128xi32, #tpu.memory_space<vmem>>
          %dma_start3A_96 = arith.constant 0 : i32
          %dma_start3A_97 = arith.constant 0 : i32
          %dma_start3A_98 = tpu.memref_slice %arg11[%dma_start3A_96, %dma_start3A_97] : memref<10240x128xf32, #tpu.memory_space<vmem_shared>> -> memref<10240x128xf32, #tpu.memory_space<vmem_shared>>
          tpu.enqueue_indirect_dma source(%arg9 : memref<128x128xf32, #tpu.memory_space<vmem>>) target(%dma_start3A_98 : memref<10240x128xf32, #tpu.memory_space<vmem_shared>>) offsets(%dma_start3A_95 : memref<128xi32, #tpu.memory_space<vmem>>) semaphore(%run_scoped3A : memref<!tpu.dma_semaphore, #tpu.memory_space<semaphore_mem>>) {add = true}
          %dma_wait3A_99 = arith.constant 0 : i32
          %dma_wait3A_100 = tpu.memref_slice %arg8[%add3A_68, %dma_wait3A_99] : memref<8x128xi32, #tpu.memory_space<vmem>> -> memref<1x128xi32, #tpu.memory_space<vmem>>
          %dma_wait3A_101 = tpu.memref_squeeze %dma_wait3A_100 : memref<1x128xi32, #tpu.memory_space<vmem>> -> memref<128xi32, #tpu.memory_space<vmem>>
          %dma_wait3A_102 = arith.constant 0 : i32
          %dma_wait3A_103 = arith.constant 0 : i32
          %dma_wait3A_104 = tpu.memref_slice %arg11[%dma_wait3A_102, %dma_wait3A_103] : memref<10240x128xf32, #tpu.memory_space<vmem_shared>> -> memref<10240x128xf32, #tpu.memory_space<vmem_shared>>
          tpu.wait_indirect_dma semaphore(%run_scoped3A : memref<!tpu.dma_semaphore, #tpu.memory_space<semaphore_mem>>) src(%arg9 : memref<128x128xf32, #tpu.memory_space<vmem>>) dst(%dma_wait3A_104 : memref<10240x128xf32, #tpu.memory_space<vmem_shared>>)
          tpu.yield
        }) : () -> ()
        %add3A_74 = arith.constant 2 : i32
        %add3A_75 = arith.addi %add3A_68, %add3A_74 : i32
        %lt3A = arith.constant 8 : i32
        %lt3A_76 = arith.cmpi slt, %add3A_75, %lt3A : i32
        %convert_element_type3A = arith.extui %lt3A_76 : i1 to i32
        %cond3A = arith.constant 0 : i32
        %cond3A_77 = arith.cmpi ne, %convert_element_type3A, %cond3A : i32
        scf.if %cond3A_77 {
          %add3A_93 = arith.constant 2 : i32
          %add3A_94 = arith.addi %add3A_68, %add3A_93 : i32
          %dma_start3A_95 = arith.constant 0 : i32
          %dma_start3A_96 = tpu.memref_slice %arg7[%add3A_94, %dma_start3A_95] : memref<8x128xi32, #tpu.memory_space<vmem>> -> memref<1x128xi32, #tpu.memory_space<vmem>>
          %dma_start3A_97 = tpu.memref_squeeze %dma_start3A_96 : memref<1x128xi32, #tpu.memory_space<vmem>> -> memref<128xi32, #tpu.memory_space<vmem>>
          %dma_start3A_98 = arith.constant 0 : i32
          %dma_start3A_99 = arith.constant 0 : i32
          %dma_start3A_100 = tpu.memref_slice %arg2[%dma_start3A_98, %dma_start3A_99] : memref<10000x128xf32, #tpu.memory_space<hbm>> -> memref<10000x128xf32, #tpu.memory_space<hbm>>
          tpu.enqueue_indirect_dma source(%dma_start3A_100 : memref<10000x128xf32, #tpu.memory_space<hbm>>) target(%arg9 : memref<128x128xf32, #tpu.memory_space<vmem>>) offsets(%dma_start3A_97 : memref<128xi32, #tpu.memory_space<vmem>>) semaphore(%arg12 : memref<!tpu.dma_semaphore, #tpu.memory_space<semaphore_mem>>)
        } else {
        }
        %add3A_78 = arith.constant 1 : i32
        %add3A_79 = arith.addi %mul3A_66, %add3A_78 : i32
        %dma_wait3A_80 = arith.constant 0 : i32
        %dma_wait3A_81 = tpu.memref_slice %arg7[%add3A_79, %dma_wait3A_80] : memref<8x128xi32, #tpu.memory_space<vmem>> -> memref<1x128xi32, #tpu.memory_space<vmem>>
        %dma_wait3A_82 = tpu.memref_squeeze %dma_wait3A_81 : memref<1x128xi32, #tpu.memory_space<vmem>> -> memref<128xi32, #tpu.memory_space<vmem>>
        %dma_wait3A_83 = arith.constant 0 : i32
        %dma_wait3A_84 = arith.constant 0 : i32
        %dma_wait3A_85 = tpu.memref_slice %arg2[%dma_wait3A_83, %dma_wait3A_84] : memref<10000x128xf32, #tpu.memory_space<hbm>> -> memref<10000x128xf32, #tpu.memory_space<hbm>>
        tpu.wait_indirect_dma semaphore(%arg13 : memref<!tpu.dma_semaphore, #tpu.memory_space<semaphore_mem>>) src(%dma_wait3A_85 : memref<10000x128xf32, #tpu.memory_space<hbm>>) dst(%arg10 : memref<128x128xf32, #tpu.memory_space<vmem>>)
        "tpu.region"() ({
          %run_scoped3A = tpu.sem_alloc : memref<!tpu.dma_semaphore, #tpu.memory_space<semaphore_mem>>
          %dma_start3A_93 = arith.constant 0 : i32
          %dma_start3A_94 = tpu.memref_slice %arg8[%add3A_79, %dma_start3A_93] : memref<8x128xi32, #tpu.memory_space<vmem>> -> memref<1x128xi32, #tpu.memory_space<vmem>>
          %dma_start3A_95 = tpu.memref_squeeze %dma_start3A_94 : memref<1x128xi32, #tpu.memory_space<vmem>> -> memref<128xi32, #tpu.memory_space<vmem>>
          %dma_start3A_96 = arith.constant 0 : i32
          %dma_start3A_97 = arith.constant 0 : i32
          %dma_start3A_98 = tpu.memref_slice %arg11[%dma_start3A_96, %dma_start3A_97] : memref<10240x128xf32, #tpu.memory_space<vmem_shared>> -> memref<10240x128xf32, #tpu.memory_space<vmem_shared>>
          tpu.enqueue_indirect_dma source(%arg10 : memref<128x128xf32, #tpu.memory_space<vmem>>) target(%dma_start3A_98 : memref<10240x128xf32, #tpu.memory_space<vmem_shared>>) offsets(%dma_start3A_95 : memref<128xi32, #tpu.memory_space<vmem>>) semaphore(%run_scoped3A : memref<!tpu.dma_semaphore, #tpu.memory_space<semaphore_mem>>) {add = true}
          %dma_wait3A_99 = arith.constant 0 : i32
          %dma_wait3A_100 = tpu.memref_slice %arg8[%add3A_79, %dma_wait3A_99] : memref<8x128xi32, #tpu.memory_space<vmem>> -> memref<1x128xi32, #tpu.memory_space<vmem>>
          %dma_wait3A_101 = tpu.memref_squeeze %dma_wait3A_100 : memref<1x128xi32, #tpu.memory_space<vmem>> -> memref<128xi32, #tpu.memory_space<vmem>>
          %dma_wait3A_102 = arith.constant 0 : i32
          %dma_wait3A_103 = arith.constant 0 : i32
          %dma_wait3A_104 = tpu.memref_slice %arg11[%dma_wait3A_102, %dma_wait3A_103] : memref<10240x128xf32, #tpu.memory_space<vmem_shared>> -> memref<10240x128xf32, #tpu.memory_space<vmem_shared>>
          tpu.wait_indirect_dma semaphore(%run_scoped3A : memref<!tpu.dma_semaphore, #tpu.memory_space<semaphore_mem>>) src(%arg10 : memref<128x128xf32, #tpu.memory_space<vmem>>) dst(%dma_wait3A_104 : memref<10240x128xf32, #tpu.memory_space<vmem_shared>>)
          tpu.yield
        }) : () -> ()
        %add3A_86 = arith.constant 2 : i32
        %add3A_87 = arith.addi %add3A_79, %add3A_86 : i32
        %lt3A_88 = arith.constant 8 : i32
        %lt3A_89 = arith.cmpi slt, %add3A_87, %lt3A_88 : i32
        %convert_element_type3A_90 = arith.extui %lt3A_89 : i1 to i32
        %cond3A_91 = arith.constant 0 : i32
        %cond3A_92 = arith.cmpi ne, %convert_element_type3A_90, %cond3A_91 : i32
        scf.if %cond3A_92 {
          %add3A_93 = arith.constant 2 : i32
          %add3A_94 = arith.addi %add3A_79, %add3A_93 : i32
          %dma_start3A_95 = arith.constant 0 : i32
          %dma_start3A_96 = tpu.memref_slice %arg7[%add3A_94, %dma_start3A_95] : memref<8x128xi32, #tpu.memory_space<vmem>> -> memref<1x128xi32, #tpu.memory_space<vmem>>
          %dma_start3A_97 = tpu.memref_squeeze %dma_start3A_96 : memref<1x128xi32, #tpu.memory_space<vmem>> -> memref<128xi32, #tpu.memory_space<vmem>>
          %dma_start3A_98 = arith.constant 0 : i32
          %dma_start3A_99 = arith.constant 0 : i32
          %dma_start3A_100 = tpu.memref_slice %arg2[%dma_start3A_98, %dma_start3A_99] : memref<10000x128xf32, #tpu.memory_space<hbm>> -> memref<10000x128xf32, #tpu.memory_space<hbm>>
          tpu.enqueue_indirect_dma source(%dma_start3A_100 : memref<10000x128xf32, #tpu.memory_space<hbm>>) target(%arg10 : memref<128x128xf32, #tpu.memory_space<vmem>>) offsets(%dma_start3A_97 : memref<128xi32, #tpu.memory_space<vmem>>) semaphore(%arg13 : memref<!tpu.dma_semaphore, #tpu.memory_space<semaphore_mem>>)
        } else {
        }
      }
      %scan3A_63 = arith.constant 4 : i32
    }
    %barrier3A_38 = arith.constant 0 : index
    tpu.barrier barrier_id(%barrier3A_38)
    %mul3A_39 = arith.constant 10240 : i32
    %mul3A_40 = arith.muli %arg0, %mul3A_39 : i32
    %add3A_41 = arith.addi %mul3A_40, %mul3A_0 : i32
    "tpu.region"() ({
      %run_scoped3A = tpu.sem_alloc : memref<!tpu.dma_semaphore, #tpu.memory_space<semaphore_mem>>
      %dma_start3A = arith.constant 0 : i32
      %dma_start3A_42 = tpu.memref_slice %arg6[%add3A_41, %dma_start3A] : memref<20480x128xf32, #tpu.memory_space<hbm>> -> memref<640x128xf32, #tpu.memory_space<hbm>>
      %dma_start3A_43 = arith.constant 0 : i32
      %dma_start3A_44 = tpu.memref_slice %arg11[%mul3A_0, %dma_start3A_43] : memref<10240x128xf32, #tpu.memory_space<vmem_shared>> -> memref<640x128xf32, #tpu.memory_space<vmem_shared>>
      tpu.enqueue_dma source(%dma_start3A_44 : memref<640x128xf32, #tpu.memory_space<vmem_shared>>) target(%dma_start3A_42 : memref<640x128xf32, #tpu.memory_space<hbm>>) target_semaphore(%run_scoped3A : memref<!tpu.dma_semaphore, #tpu.memory_space<semaphore_mem>>)
      %dma_wait3A = arith.constant 0 : i32
      %dma_wait3A_45 = tpu.memref_slice %arg6[%add3A_41, %dma_wait3A] : memref<20480x128xf32, #tpu.memory_space<hbm>> -> memref<640x128xf32, #tpu.memory_space<hbm>>
      %dma_wait3A_46 = arith.constant 0 : i32
      %dma_wait3A_47 = tpu.memref_slice %arg11[%mul3A_0, %dma_wait3A_46] : memref<10240x128xf32, #tpu.memory_space<vmem_shared>> -> memref<640x128xf32, #tpu.memory_space<vmem_shared>>
      tpu.wait_dma2 semaphore(%run_scoped3A : memref<!tpu.dma_semaphore, #tpu.memory_space<semaphore_mem>>) src(%dma_wait3A_47 : memref<640x128xf32, #tpu.memory_space<vmem_shared>>) dst(%dma_wait3A_45 : memref<640x128xf32, #tpu.memory_space<hbm>>)
      tpu.yield
    }) : () -> ()
    return
  }
}

module attributes {stable_mosaic.version = 14 : i64} {
  func.func @_pre_body(%arg0: i32, %arg1: memref<1000x128xf32, #tpu.memory_space<vmem>>, %arg2: memref<128x128xf32, #tpu.memory_space<vmem>>, %arg3: memref<1x128xf32, #tpu.memory_space<vmem>>, %arg4: memref<1x128xf32, #tpu.memory_space<vmem>>, %arg5: memref<1x128xf32, #tpu.memory_space<vmem>>, %arg6: memref<128x128xf32, #tpu.memory_space<vmem>>, %arg7: memref<1x128xf32, #tpu.memory_space<vmem>>, %arg8: memref<128x128xf32, #tpu.memory_space<vmem>>, %arg9: memref<1x128xf32, #tpu.memory_space<vmem>>, %arg10: memref<1000x128xf32, #tpu.memory_space<vmem>>, %arg11: memref<1000x128xf32, #tpu.memory_space<vmem>>) attributes {dimension_semantics = [#tpu.dimension_semantics<arbitrary>], iteration_bounds = array<i64: 10>, scalar_prefetch = 0 : i64, scratch_operands = 0 : i64, tpu.core_type = #tpu.core_type<tc>, window_params = [{transform_indices = @transform_0, window_bounds = array<i64: 1000, 128>}, {pipeline_mode = #tpu.pipeline_mode<synchronous>, transform_indices = @transform_1, window_bounds = array<i64: 128, 128>}, {pipeline_mode = #tpu.pipeline_mode<synchronous>, transform_indices = @transform_2, window_bounds = array<i64: 1, 128>}, {pipeline_mode = #tpu.pipeline_mode<synchronous>, transform_indices = @transform_3, window_bounds = array<i64: 1, 128>}, {pipeline_mode = #tpu.pipeline_mode<synchronous>, transform_indices = @transform_4, window_bounds = array<i64: 1, 128>}, {pipeline_mode = #tpu.pipeline_mode<synchronous>, transform_indices = @transform_5, window_bounds = array<i64: 128, 128>}, {pipeline_mode = #tpu.pipeline_mode<synchronous>, transform_indices = @transform_6, window_bounds = array<i64: 1, 128>}, {pipeline_mode = #tpu.pipeline_mode<synchronous>, transform_indices = @transform_7, window_bounds = array<i64: 128, 128>}, {pipeline_mode = #tpu.pipeline_mode<synchronous>, transform_indices = @transform_8, window_bounds = array<i64: 1, 128>}, {transform_indices = @transform_9, window_bounds = array<i64: 1000, 128>}, {transform_indices = @transform_10, window_bounds = array<i64: 1000, 128>}]} {
    %get3A = arith.constant 0 : index
    %get3A_0 = arith.constant 0 : index
    %get3A_1 = vector.load %arg1[%get3A, %get3A_0] : memref<1000x128xf32, #tpu.memory_space<vmem>>, vector<1000x128xf32>
    %get3A_2 = arith.constant 0 : index
    %get3A_3 = arith.constant 0 : index
    %get3A_4 = vector.load %arg2[%get3A_2, %get3A_3] : memref<128x128xf32, #tpu.memory_space<vmem>>, vector<128x128xf32>
    %dot_general3A = arith.constant dense<0.000000e+00> : vector<1000x128xf32>
    %dot_general3A_5 = tpu.matmul %get3A_1, %get3A_4, %dot_general3A {dimension_numbers = #tpu.dot_dimension_numbers<[1], [0], [0], [1], [0, 0, 1, 1], [], []>, transpose_lhs_hint = false} : vector<1000x128xf32>, vector<128x128xf32>, vector<1000x128xf32> -> vector<1000x128xf32>
    %get3A_6 = arith.constant 0 : index
    %get3A_7 = arith.constant 0 : index
    %get3A_8 = vector.load %arg3[%get3A_6, %get3A_7] : memref<1x128xf32, #tpu.memory_space<vmem>>, vector<1x128xf32>
    %add3A = vector.broadcast %get3A_8 : vector<1x128xf32> to vector<1000x128xf32>
    %add3A_9 = arith.addf %dot_general3A_5, %add3A : vector<1000x128xf32>
    %get3A_10 = arith.constant 0 : index
    %get3A_11 = arith.constant 0 : index
    %get3A_12 = vector.load %arg4[%get3A_10, %get3A_11] : memref<1x128xf32, #tpu.memory_space<vmem>>, vector<1x128xf32>
    %get3A_13 = arith.constant 0 : index
    %get3A_14 = arith.constant 0 : index
    %get3A_15 = vector.load %arg5[%get3A_13, %get3A_14] : memref<1x128xf32, #tpu.memory_space<vmem>>, vector<1x128xf32>
    %reduce_sum3A = arith.constant dense<0.000000e+00> : vector<1000xf32>
    %reduce_sum3A_16 = vector.multi_reduction <add>, %add3A_9, %reduce_sum3A [1] : vector<1000x128xf32> to vector<1000xf32>
    %broadcast_in_dim3A = vector.shape_cast %reduce_sum3A_16 : vector<1000xf32> to vector<1000x1xf32>
    %div3A = arith.constant 1.280000e+02 : f32
    %div3A_17 = vector.broadcast %div3A : f32 to vector<1000x1xf32>
    %div3A_18 = arith.divf %broadcast_in_dim3A, %div3A_17 : vector<1000x1xf32>
    %sub3A = vector.broadcast %div3A_18 : vector<1000x1xf32> to vector<1000x128xf32>
    %sub3A_19 = arith.subf %add3A_9, %sub3A : vector<1000x128xf32>
    %integer_pow3A = arith.mulf %sub3A_19, %sub3A_19 : vector<1000x128xf32>
    %reduce_sum3A_20 = arith.constant dense<0.000000e+00> : vector<1000xf32>
    %reduce_sum3A_21 = vector.multi_reduction <add>, %integer_pow3A, %reduce_sum3A_20 [1] : vector<1000x128xf32> to vector<1000xf32>
    %broadcast_in_dim3A_22 = vector.shape_cast %reduce_sum3A_21 : vector<1000xf32> to vector<1000x1xf32>
    %div3A_23 = arith.constant 1.280000e+02 : f32
    %div3A_24 = vector.broadcast %div3A_23 : f32 to vector<1000x1xf32>
    %div3A_25 = arith.divf %broadcast_in_dim3A_22, %div3A_24 : vector<1000x1xf32>
    %sub3A_26 = vector.broadcast %div3A_18 : vector<1000x1xf32> to vector<1000x128xf32>
    %sub3A_27 = arith.subf %add3A_9, %sub3A_26 : vector<1000x128xf32>
    %add3A_28 = arith.constant 9.99999974E-6 : f32
    %add3A_29 = vector.broadcast %add3A_28 : f32 to vector<1000x1xf32>
    %add3A_30 = arith.addf %div3A_25, %add3A_29 : vector<1000x1xf32>
    %sqrt3A = math.sqrt %add3A_30 : vector<1000x1xf32>
    %div3A_31 = vector.broadcast %sqrt3A : vector<1000x1xf32> to vector<1000x128xf32>
    %div3A_32 = arith.divf %sub3A_27, %div3A_31 : vector<1000x128xf32>
    %mul3A = vector.broadcast %get3A_12 : vector<1x128xf32> to vector<1000x128xf32>
    %mul3A_33 = arith.mulf %div3A_32, %mul3A : vector<1000x128xf32>
    %add3A_34 = vector.broadcast %get3A_15 : vector<1x128xf32> to vector<1000x128xf32>
    %add3A_35 = arith.addf %mul3A_33, %add3A_34 : vector<1000x128xf32>
    %max3A = arith.constant 0.000000e+00 : f32
    %max3A_36 = vector.broadcast %max3A : f32 to vector<1000x128xf32>
    %max3A_37 = arith.maximumf %add3A_35, %max3A_36 : vector<1000x128xf32>
    %swap3A = arith.constant 0 : index
    %swap3A_38 = arith.constant 0 : index
    %swap3A_39 = vector.load %arg10[%swap3A, %swap3A_38] : memref<1000x128xf32, #tpu.memory_space<vmem>>, vector<1000x128xf32>
    tpu.vector_store %arg10[%swap3A, %swap3A_38], %max3A_37 {strides = array<i32>} : memref<1000x128xf32, #tpu.memory_space<vmem>>, vector<1000x128xf32>,
    %get3A_40 = arith.constant 0 : index
    %get3A_41 = arith.constant 0 : index
    %get3A_42 = vector.load %arg6[%get3A_40, %get3A_41] : memref<128x128xf32, #tpu.memory_space<vmem>>, vector<128x128xf32>
    %dot_general3A_43 = arith.constant dense<0.000000e+00> : vector<1000x128xf32>
    %dot_general3A_44 = tpu.matmul %get3A_1, %get3A_42, %dot_general3A_43 {dimension_numbers = #tpu.dot_dimension_numbers<[1], [0], [0], [1], [0, 0, 1, 1], [], []>, transpose_lhs_hint = false} : vector<1000x128xf32>, vector<128x128xf32>, vector<1000x128xf32> -> vector<1000x128xf32>
    %get3A_45 = arith.constant 0 : index
    %get3A_46 = arith.constant 0 : index
    %get3A_47 = vector.load %arg7[%get3A_45, %get3A_46] : memref<1x128xf32, #tpu.memory_space<vmem>>, vector<1x128xf32>
    %add3A_48 = vector.broadcast %get3A_47 : vector<1x128xf32> to vector<1000x128xf32>
    %add3A_49 = arith.addf %dot_general3A_44, %add3A_48 : vector<1000x128xf32>
    %get3A_50 = arith.constant 0 : index
    %get3A_51 = arith.constant 0 : index
    %get3A_52 = vector.load %arg8[%get3A_50, %get3A_51] : memref<128x128xf32, #tpu.memory_space<vmem>>, vector<128x128xf32>
    %dot_general3A_53 = arith.constant dense<0.000000e+00> : vector<1000x128xf32>
    %dot_general3A_54 = tpu.matmul %add3A_49, %get3A_52, %dot_general3A_53 {dimension_numbers = #tpu.dot_dimension_numbers<[1], [0], [0], [1], [0, 0, 1, 1], [], []>, transpose_lhs_hint = false} : vector<1000x128xf32>, vector<128x128xf32>, vector<1000x128xf32> -> vector<1000x128xf32>
    %get3A_55 = arith.constant 0 : index
    %get3A_56 = arith.constant 0 : index
    %get3A_57 = vector.load %arg9[%get3A_55, %get3A_56] : memref<1x128xf32, #tpu.memory_space<vmem>>, vector<1x128xf32>
    %add3A_58 = vector.broadcast %get3A_57 : vector<1x128xf32> to vector<1000x128xf32>
    %add3A_59 = arith.addf %dot_general3A_54, %add3A_58 : vector<1000x128xf32>
    %swap3A_60 = arith.constant 0 : index
    %swap3A_61 = arith.constant 0 : index
    %swap3A_62 = vector.load %arg11[%swap3A_60, %swap3A_61] : memref<1000x128xf32, #tpu.memory_space<vmem>>, vector<1000x128xf32>
    tpu.vector_store %arg11[%swap3A_60, %swap3A_61], %add3A_59 {strides = array<i32>} : memref<1000x128xf32, #tpu.memory_space<vmem>>, vector<1000x128xf32>,
    return
  }
  func.func @transform_0(%arg0: i32) -> (i32, i32) {
    %c0_i32 = arith.constant 0 : i32
    %c0_i32_0 = arith.constant 0 : i32
    return %arg0, %c0_i32 : i32, i32
  }
  func.func @transform_1(%arg0: i32) -> (i32, i32) {
    %c0_i32 = arith.constant 0 : i32
    %c0_i32_0 = arith.constant 0 : i32
    %c0_i32_1 = arith.constant 0 : i32
    return %c0_i32, %c0_i32_0 : i32, i32
  }
  func.func @transform_2(%arg0: i32) -> (i32, i32) {
    %c0_i32 = arith.constant 0 : i32
    %c0_i32_0 = arith.constant 0 : i32
    %c0_i32_1 = arith.constant 0 : i32
    return %c0_i32, %c0_i32_0 : i32, i32
  }
  func.func @transform_3(%arg0: i32) -> (i32, i32) {
    %c0_i32 = arith.constant 0 : i32
    %c0_i32_0 = arith.constant 0 : i32
    %c0_i32_1 = arith.constant 0 : i32
    return %c0_i32, %c0_i32_0 : i32, i32
  }
  func.func @transform_4(%arg0: i32) -> (i32, i32) {
    %c0_i32 = arith.constant 0 : i32
    %c0_i32_0 = arith.constant 0 : i32
    %c0_i32_1 = arith.constant 0 : i32
    return %c0_i32, %c0_i32_0 : i32, i32
  }
  func.func @transform_5(%arg0: i32) -> (i32, i32) {
    %c0_i32 = arith.constant 0 : i32
    %c0_i32_0 = arith.constant 0 : i32
    %c0_i32_1 = arith.constant 0 : i32
    return %c0_i32, %c0_i32_0 : i32, i32
  }
  func.func @transform_6(%arg0: i32) -> (i32, i32) {
    %c0_i32 = arith.constant 0 : i32
    %c0_i32_0 = arith.constant 0 : i32
    %c0_i32_1 = arith.constant 0 : i32
    return %c0_i32, %c0_i32_0 : i32, i32
  }
  func.func @transform_7(%arg0: i32) -> (i32, i32) {
    %c0_i32 = arith.constant 0 : i32
    %c0_i32_0 = arith.constant 0 : i32
    %c0_i32_1 = arith.constant 0 : i32
    return %c0_i32, %c0_i32_0 : i32, i32
  }
  func.func @transform_8(%arg0: i32) -> (i32, i32) {
    %c0_i32 = arith.constant 0 : i32
    %c0_i32_0 = arith.constant 0 : i32
    %c0_i32_1 = arith.constant 0 : i32
    return %c0_i32, %c0_i32_0 : i32, i32
  }
  func.func @transform_9(%arg0: i32) -> (i32, i32) {
    %c0_i32 = arith.constant 0 : i32
    %c0_i32_0 = arith.constant 0 : i32
    return %arg0, %c0_i32 : i32, i32
  }
  func.func @transform_10(%arg0: i32) -> (i32, i32) {
    %c0_i32 = arith.constant 0 : i32
    %c0_i32_0 = arith.constant 0 : i32
    return %arg0, %c0_i32 : i32, i32
  }
}

module attributes {stable_mosaic.version = 14 : i64} {
  func.func @_combine_body(%arg0: i32, %arg1: memref<1000x128xf32, #tpu.memory_space<vmem>>, %arg2: memref<1000x128xf32, #tpu.memory_space<vmem>>, %arg3: memref<1000x16xf32, #tpu.memory_space<vmem>>, %arg4: memref<1000x16xf32, #tpu.memory_space<vmem>>, %arg5: memref<1000x128xf32, #tpu.memory_space<vmem>>, %arg6: memref<128x128xf32, #tpu.memory_space<vmem>>, %arg7: memref<1x128xf32, #tpu.memory_space<vmem>>, %arg8: memref<128x128xf32, #tpu.memory_space<vmem>>, %arg9: memref<1x128xf32, #tpu.memory_space<vmem>>, %arg10: memref<1x128xf32, #tpu.memory_space<vmem>>, %arg11: memref<1000x128xf32, #tpu.memory_space<vmem>>) attributes {dimension_semantics = [#tpu.dimension_semantics<arbitrary>], iteration_bounds = array<i64: 10>, scalar_prefetch = 0 : i64, scratch_operands = 0 : i64, tpu.core_type = #tpu.core_type<tc>, window_params = [{transform_indices = @transform_0, window_bounds = array<i64: 1000, 128>}, {transform_indices = @transform_1, window_bounds = array<i64: 1000, 128>}, {transform_indices = @transform_2, window_bounds = array<i64: 1000, 16>}, {transform_indices = @transform_3, window_bounds = array<i64: 1000, 16>}, {transform_indices = @transform_4, window_bounds = array<i64: 1000, 128>}, {pipeline_mode = #tpu.pipeline_mode<synchronous>, transform_indices = @transform_5, window_bounds = array<i64: 128, 128>}, {pipeline_mode = #tpu.pipeline_mode<synchronous>, transform_indices = @transform_6, window_bounds = array<i64: 1, 128>}, {pipeline_mode = #tpu.pipeline_mode<synchronous>, transform_indices = @transform_7, window_bounds = array<i64: 128, 128>}, {pipeline_mode = #tpu.pipeline_mode<synchronous>, transform_indices = @transform_8, window_bounds = array<i64: 1, 128>}, {pipeline_mode = #tpu.pipeline_mode<synchronous>, transform_indices = @transform_9, window_bounds = array<i64: 1, 128>}, {transform_indices = @transform_10, window_bounds = array<i64: 1000, 128>}]} {
    %get3A = arith.constant 0 : index
    %get3A_0 = arith.constant 0 : index
    %get3A_1 = vector.load %arg3[%get3A, %get3A_0] : memref<1000x16xf32, #tpu.memory_space<vmem>>, vector<1000x16xf32>
    %slice3A = vector.extract_strided_slice %get3A_1 {offsets = [0, 0], sizes = [1000, 1], strides = [1, 1]} : vector<1000x16xf32> to vector<1000x1xf32>
    %get3A_2 = arith.constant 0 : index
    %get3A_3 = arith.constant 0 : index
    %get3A_4 = vector.load %arg4[%get3A_2, %get3A_3] : memref<1000x16xf32, #tpu.memory_space<vmem>>, vector<1000x16xf32>
    %slice3A_5 = vector.extract_strided_slice %get3A_4 {offsets = [0, 0], sizes = [1000, 1], strides = [1, 1]} : vector<1000x16xf32> to vector<1000x1xf32>
    %add3A = arith.addf %slice3A, %slice3A_5 : vector<1000x1xf32>
    %jit3A = arith.constant 1.000000e+00 : f32
    %max3A = vector.broadcast %jit3A : f32 to vector<1000x1xf32>
    %max3A_6 = arith.maximumf %max3A, %add3A : vector<1000x1xf32>
    %get3A_7 = arith.constant 0 : index
    %get3A_8 = arith.constant 0 : index
    %get3A_9 = vector.load %arg1[%get3A_7, %get3A_8] : memref<1000x128xf32, #tpu.memory_space<vmem>>, vector<1000x128xf32>
    %get3A_10 = arith.constant 0 : index
    %get3A_11 = arith.constant 0 : index
    %get3A_12 = vector.load %arg2[%get3A_10, %get3A_11] : memref<1000x128xf32, #tpu.memory_space<vmem>>, vector<1000x128xf32>
    %add3A_13 = arith.addf %get3A_9, %get3A_12 : vector<1000x128xf32>
    %div3A = vector.broadcast %max3A_6 : vector<1000x1xf32> to vector<1000x128xf32>
    %div3A_14 = arith.divf %add3A_13, %div3A : vector<1000x128xf32>
    %get3A_15 = arith.constant 0 : index
    %get3A_16 = arith.constant 0 : index
    %get3A_17 = vector.load %arg5[%get3A_15, %get3A_16] : memref<1000x128xf32, #tpu.memory_space<vmem>>, vector<1000x128xf32>
    %get3A_18 = arith.constant 0 : index
    %get3A_19 = arith.constant 0 : index
    %get3A_20 = vector.load %arg6[%get3A_18, %get3A_19] : memref<128x128xf32, #tpu.memory_space<vmem>>, vector<128x128xf32>
    %dot_general3A = arith.constant dense<0.000000e+00> : vector<1000x128xf32>
    %dot_general3A_21 = tpu.matmul %div3A_14, %get3A_20, %dot_general3A {dimension_numbers = #tpu.dot_dimension_numbers<[1], [0], [0], [1], [0, 0, 1, 1], [], []>, transpose_lhs_hint = false} : vector<1000x128xf32>, vector<128x128xf32>, vector<1000x128xf32> -> vector<1000x128xf32>
    %get3A_22 = arith.constant 0 : index
    %get3A_23 = arith.constant 0 : index
    %get3A_24 = vector.load %arg7[%get3A_22, %get3A_23] : memref<1x128xf32, #tpu.memory_space<vmem>>, vector<1x128xf32>
    %add3A_25 = vector.broadcast %get3A_24 : vector<1x128xf32> to vector<1000x128xf32>
    %add3A_26 = arith.addf %dot_general3A_21, %add3A_25 : vector<1000x128xf32>
    %get3A_27 = arith.constant 0 : index
    %get3A_28 = arith.constant 0 : index
    %get3A_29 = vector.load %arg8[%get3A_27, %get3A_28] : memref<128x128xf32, #tpu.memory_space<vmem>>, vector<128x128xf32>
    %dot_general3A_30 = arith.constant dense<0.000000e+00> : vector<1000x128xf32>
    %dot_general3A_31 = tpu.matmul %get3A_17, %get3A_29, %dot_general3A_30 {dimension_numbers = #tpu.dot_dimension_numbers<[1], [0], [0], [1], [0, 0, 1, 1], [], []>, transpose_lhs_hint = false} : vector<1000x128xf32>, vector<128x128xf32>, vector<1000x128xf32> -> vector<1000x128xf32>
    %add3A_32 = arith.addf %add3A_26, %dot_general3A_31 : vector<1000x128xf32>
    %get3A_33 = arith.constant 0 : index
    %get3A_34 = arith.constant 0 : index
    %get3A_35 = vector.load %arg9[%get3A_33, %get3A_34] : memref<1x128xf32, #tpu.memory_space<vmem>>, vector<1x128xf32>
    %get3A_36 = arith.constant 0 : index
    %get3A_37 = arith.constant 0 : index
    %get3A_38 = vector.load %arg10[%get3A_36, %get3A_37] : memref<1x128xf32, #tpu.memory_space<vmem>>, vector<1x128xf32>
    %reduce_sum3A = arith.constant dense<0.000000e+00> : vector<1000xf32>
    %reduce_sum3A_39 = vector.multi_reduction <add>, %add3A_32, %reduce_sum3A [1] : vector<1000x128xf32> to vector<1000xf32>
    %broadcast_in_dim3A = vector.shape_cast %reduce_sum3A_39 : vector<1000xf32> to vector<1000x1xf32>
    %div3A_40 = arith.constant 1.280000e+02 : f32
    %div3A_41 = vector.broadcast %div3A_40 : f32 to vector<1000x1xf32>
    %div3A_42 = arith.divf %broadcast_in_dim3A, %div3A_41 : vector<1000x1xf32>
    %sub3A = vector.broadcast %div3A_42 : vector<1000x1xf32> to vector<1000x128xf32>
    %sub3A_43 = arith.subf %add3A_32, %sub3A : vector<1000x128xf32>
    %integer_pow3A = arith.mulf %sub3A_43, %sub3A_43 : vector<1000x128xf32>
    %reduce_sum3A_44 = arith.constant dense<0.000000e+00> : vector<1000xf32>
    %reduce_sum3A_45 = vector.multi_reduction <add>, %integer_pow3A, %reduce_sum3A_44 [1] : vector<1000x128xf32> to vector<1000xf32>
    %broadcast_in_dim3A_46 = vector.shape_cast %reduce_sum3A_45 : vector<1000xf32> to vector<1000x1xf32>
    %div3A_47 = arith.constant 1.280000e+02 : f32
    %div3A_48 = vector.broadcast %div3A_47 : f32 to vector<1000x1xf32>
    %div3A_49 = arith.divf %broadcast_in_dim3A_46, %div3A_48 : vector<1000x1xf32>
    %sub3A_50 = vector.broadcast %div3A_42 : vector<1000x1xf32> to vector<1000x128xf32>
    %sub3A_51 = arith.subf %add3A_32, %sub3A_50 : vector<1000x128xf32>
    %add3A_52 = arith.constant 9.99999974E-6 : f32
    %add3A_53 = vector.broadcast %add3A_52 : f32 to vector<1000x1xf32>
    %add3A_54 = arith.addf %div3A_49, %add3A_53 : vector<1000x1xf32>
    %sqrt3A = math.sqrt %add3A_54 : vector<1000x1xf32>
    %div3A_55 = vector.broadcast %sqrt3A : vector<1000x1xf32> to vector<1000x128xf32>
    %div3A_56 = arith.divf %sub3A_51, %div3A_55 : vector<1000x128xf32>
    %mul3A = vector.broadcast %get3A_35 : vector<1x128xf32> to vector<1000x128xf32>
    %mul3A_57 = arith.mulf %div3A_56, %mul3A : vector<1000x128xf32>
    %add3A_58 = vector.broadcast %get3A_38 : vector<1x128xf32> to vector<1000x128xf32>
    %add3A_59 = arith.addf %mul3A_57, %add3A_58 : vector<1000x128xf32>
    %max3A_60 = arith.constant 0.000000e+00 : f32
    %max3A_61 = vector.broadcast %max3A_60 : f32 to vector<1000x128xf32>
    %max3A_62 = arith.maximumf %add3A_59, %max3A_61 : vector<1000x128xf32>
    %swap3A = arith.constant 0 : index
    %swap3A_63 = arith.constant 0 : index
    %swap3A_64 = vector.load %arg11[%swap3A, %swap3A_63] : memref<1000x128xf32, #tpu.memory_space<vmem>>, vector<1000x128xf32>
    tpu.vector_store %arg11[%swap3A, %swap3A_63], %max3A_62 {strides = array<i32>} : memref<1000x128xf32, #tpu.memory_space<vmem>>, vector<1000x128xf32>,
    return
  }
  func.func @transform_0(%arg0: i32) -> (i32, i32) {
    %c0_i32 = arith.constant 0 : i32
    %c0_i32_0 = arith.constant 0 : i32
    return %arg0, %c0_i32 : i32, i32
  }
  func.func @transform_1(%arg0: i32) -> (i32, i32) {
    %c0_i32 = arith.constant 0 : i32
    %c0_i32_0 = arith.constant 0 : i32
    return %arg0, %c0_i32 : i32, i32
  }
  func.func @transform_2(%arg0: i32) -> (i32, i32) {
    %c0_i32 = arith.constant 0 : i32
    %c0_i32_0 = arith.constant 0 : i32
    return %arg0, %c0_i32 : i32, i32
  }
  func.func @transform_3(%arg0: i32) -> (i32, i32) {
    %c0_i32 = arith.constant 0 : i32
    %c0_i32_0 = arith.constant 0 : i32
    return %arg0, %c0_i32 : i32, i32
  }
  func.func @transform_4(%arg0: i32) -> (i32, i32) {
    %c0_i32 = arith.constant 0 : i32
    %c0_i32_0 = arith.constant 0 : i32
    return %arg0, %c0_i32 : i32, i32
  }
  func.func @transform_5(%arg0: i32) -> (i32, i32) {
    %c0_i32 = arith.constant 0 : i32
    %c0_i32_0 = arith.constant 0 : i32
    %c0_i32_1 = arith.constant 0 : i32
    return %c0_i32, %c0_i32_0 : i32, i32
  }
  func.func @transform_6(%arg0: i32) -> (i32, i32) {
    %c0_i32 = arith.constant 0 : i32
    %c0_i32_0 = arith.constant 0 : i32
    %c0_i32_1 = arith.constant 0 : i32
    return %c0_i32, %c0_i32_0 : i32, i32
  }
  func.func @transform_7(%arg0: i32) -> (i32, i32) {
    %c0_i32 = arith.constant 0 : i32
    %c0_i32_0 = arith.constant 0 : i32
    %c0_i32_1 = arith.constant 0 : i32
    return %c0_i32, %c0_i32_0 : i32, i32
  }
  func.func @transform_8(%arg0: i32) -> (i32, i32) {
    %c0_i32 = arith.constant 0 : i32
    %c0_i32_0 = arith.constant 0 : i32
    %c0_i32_1 = arith.constant 0 : i32
    return %c0_i32, %c0_i32_0 : i32, i32
  }
  func.func @transform_9(%arg0: i32) -> (i32, i32) {
    %c0_i32 = arith.constant 0 : i32
    %c0_i32_0 = arith.constant 0 : i32
    %c0_i32_1 = arith.constant 0 : i32
    return %c0_i32, %c0_i32_0 : i32, i32
  }
  func.func @transform_10(%arg0: i32) -> (i32, i32) {
    %c0_i32 = arith.constant 0 : i32
    %c0_i32_0 = arith.constant 0 : i32
    return %arg0, %c0_i32 : i32, i32
  }
}

module attributes {stable_mosaic.version = 14 : i64} {
  func.func @_comm_body(%arg0: i32, %arg1: memref<1x1x1000xi32, #tpu.memory_space<vmem>>, %arg2: memref<1000x128xf32, #tpu.memory_space<vmem>>, %arg3: memref<512x256xf32, #tpu.memory_space<vmem>>) attributes {dimension_semantics = [#tpu.dimension_semantics<arbitrary>], iteration_bounds = array<i64: 10>, scalar_prefetch = 0 : i64, scratch_operands = 0 : i64, tpu.core_type = #tpu.core_type<tc>, window_params = [{transform_indices = @transform_0, window_bounds = array<i64: 1, 1, 1000>}, {transform_indices = @transform_1, window_bounds = array<i64: 1000, 128>}, {pipeline_mode = #tpu.pipeline_mode<synchronous>, transform_indices = @transform_2, window_bounds = array<i64: 512, 256>}]} {
    %eq3A = arith.constant 0 : i32
    %eq3A_0 = arith.cmpi eq, %arg0, %eq3A : i32
    %convert_element_type3A = arith.extui %eq3A_0 : i1 to i32
    %cond3A = arith.constant 0 : i32
    %cond3A_1 = arith.cmpi ne, %convert_element_type3A, %cond3A : i32
    scf.if %cond3A_1 {
      %broadcast_in_dim3A_21 = arith.constant 0.000000e+00 : f32
      %broadcast_in_dim3A_22 = vector.broadcast %broadcast_in_dim3A_21 : f32 to vector<512x256xf32>
      %swap3A_23 = arith.constant 0 : index
      %swap3A_24 = arith.constant 0 : index
      %swap3A_25 = vector.load %arg3[%swap3A_23, %swap3A_24] : memref<512x256xf32, #tpu.memory_space<vmem>>, vector<512x256xf32>
      tpu.vector_store %arg3[%swap3A_23, %swap3A_24], %broadcast_in_dim3A_22 {strides = array<i32>} : memref<512x256xf32, #tpu.memory_space<vmem>>, vector<512x256xf32>,
    } else {
    }
    %get3A = arith.constant 0 : index
    %get3A_2 = arith.constant 0 : index
    %get3A_3 = arith.constant 0 : index
    %get3A_4 = vector.load %arg1[%get3A, %get3A_2, %get3A_3] : memref<1x1x1000xi32, #tpu.memory_space<vmem>>, vector<1x1x1000xi32>
    %get3A_5 = vector.shape_cast %get3A_4 : vector<1x1x1000xi32> to vector<1000xi32>
    %iota3A = tpu.iota {dimensions = array<i32: 0>} : vector<512x1000xi32>
    %broadcast_in_dim3A = vector.shape_cast %get3A_5 : vector<1000xi32> to vector<1x1000xi32>
    %eq3A_6 = vector.broadcast %broadcast_in_dim3A : vector<1x1000xi32> to vector<512x1000xi32>
    %eq3A_7 = arith.cmpi eq, %iota3A, %eq3A_6 : vector<512x1000xi32>
    %convert_element_type3A_8 = arith.extui %eq3A_7 : vector<512x1000xi1> to vector<512x1000xi32>
    %convert_element_type3A_9 = arith.sitofp %convert_element_type3A_8 : vector<512x1000xi32> to vector<512x1000xf32>
    %get3A_10 = arith.constant 0 : index
    %get3A_11 = arith.constant 0 : index
    %get3A_12 = vector.load %arg2[%get3A_10, %get3A_11] : memref<1000x128xf32, #tpu.memory_space<vmem>>, vector<1000x128xf32>
    %broadcast_in_dim3A_13 = arith.constant 1.000000e+00 : f32
    %broadcast_in_dim3A_14 = vector.broadcast %broadcast_in_dim3A_13 : f32 to vector<1000x128xf32>
    %concatenate3A = tpu.concatenate %get3A_12, %broadcast_in_dim3A_14 in 1 : vector<1000x128xf32>, vector<1000x128xf32> -> vector<1000x256xf32>
    %get3A_15 = arith.constant 0 : index
    %get3A_16 = arith.constant 0 : index
    %get3A_17 = vector.load %arg3[%get3A_15, %get3A_16] : memref<512x256xf32, #tpu.memory_space<vmem>>, vector<512x256xf32>
    %dot_general3A = arith.constant dense<0.000000e+00> : vector<512x256xf32>
    %dot_general3A_18 = tpu.matmul %convert_element_type3A_9, %concatenate3A, %dot_general3A {dimension_numbers = #tpu.dot_dimension_numbers<[1], [0], [0], [1], [0, 0, 1, 1], [], []>, transpose_lhs_hint = false} : vector<512x1000xf32>, vector<1000x256xf32>, vector<512x256xf32> -> vector<512x256xf32>
    %add3A = arith.addf %get3A_17, %dot_general3A_18 : vector<512x256xf32>
    %swap3A = arith.constant 0 : index
    %swap3A_19 = arith.constant 0 : index
    %swap3A_20 = vector.load %arg3[%swap3A, %swap3A_19] : memref<512x256xf32, #tpu.memory_space<vmem>>, vector<512x256xf32>
    tpu.vector_store %arg3[%swap3A, %swap3A_19], %add3A {strides = array<i32>} : memref<512x256xf32, #tpu.memory_space<vmem>>, vector<512x256xf32>,
    return
  }
  func.func @transform_0(%arg0: i32) -> (i32, i32, i32) {
    %c0_i32 = arith.constant 0 : i32
    %c0_i32_0 = arith.constant 0 : i32
    %c0_i32_1 = arith.constant 0 : i32
    return %arg0, %c0_i32, %c0_i32_0 : i32, i32, i32
  }
  func.func @transform_1(%arg0: i32) -> (i32, i32) {
    %c0_i32 = arith.constant 0 : i32
    %c0_i32_0 = arith.constant 0 : i32
    return %arg0, %c0_i32 : i32, i32
  }
  func.func @transform_2(%arg0: i32) -> (i32, i32) {
    %c0_i32 = arith.constant 0 : i32
    %c0_i32_0 = arith.constant 0 : i32
    %c0_i32_1 = arith.constant 0 : i32
    return %c0_i32, %c0_i32_0 : i32, i32
  }
}

module attributes {stable_mosaic.version = 14 : i64} {
  func.func @_attn_body(%arg0: i32, %arg1: memref<1000x128xf32, #tpu.memory_space<vmem>>, %arg2: memref<1000x128xf32, #tpu.memory_space<vmem>>, %arg3: memref<1000x16xf32, #tpu.memory_space<vmem>>, %arg4: memref<1000x16xf32, #tpu.memory_space<vmem>>, %arg5: memref<1000x128xf32, #tpu.memory_space<vmem>>, %arg6: memref<128x128xf32, #tpu.memory_space<vmem>>, %arg7: memref<1x128xf32, #tpu.memory_space<vmem>>, %arg8: memref<128x128xf32, #tpu.memory_space<vmem>>, %arg9: memref<1x128xf32, #tpu.memory_space<vmem>>, %arg10: memref<1x128xf32, #tpu.memory_space<vmem>>, %arg11: memref<1000x128xf32, #tpu.memory_space<vmem>>, %arg12: memref<1000x512xi32, #tpu.memory_space<vmem>>, %arg13: memref<512x256xf32, #tpu.memory_space<vmem>>, %arg14: memref<128x128xf32, #tpu.memory_space<vmem>>, %arg15: memref<1x128xf32, #tpu.memory_space<vmem>>, %arg16: memref<128x128xf32, #tpu.memory_space<vmem>>, %arg17: memref<1x128xf32, #tpu.memory_space<vmem>>, %arg18: memref<256x128xf32, #tpu.memory_space<vmem>>, %arg19: memref<1x128xf32, #tpu.memory_space<vmem>>, %arg20: memref<1x1xf32, #tpu.memory_space<vmem>>, %arg21: memref<1x1xf32, #tpu.memory_space<vmem>>, %arg22: memref<1000x128xf32, #tpu.memory_space<vmem>>) attributes {dimension_semantics = [#tpu.dimension_semantics<arbitrary>], iteration_bounds = array<i64: 10>, scalar_prefetch = 0 : i64, scratch_operands = 0 : i64, tpu.core_type = #tpu.core_type<tc>, window_params = [{transform_indices = @transform_0, window_bounds = array<i64: 1000, 128>}, {transform_indices = @transform_1, window_bounds = array<i64: 1000, 128>}, {transform_indices = @transform_2, window_bounds = array<i64: 1000, 16>}, {transform_indices = @transform_3, window_bounds = array<i64: 1000, 16>}, {transform_indices = @transform_4, window_bounds = array<i64: 1000, 128>}, {pipeline_mode = #tpu.pipeline_mode<synchronous>, transform_indices = @transform_5, window_bounds = array<i64: 128, 128>}, {pipeline_mode = #tpu.pipeline_mode<synchronous>, transform_indices = @transform_6, window_bounds = array<i64: 1, 128>}, {pipeline_mode = #tpu.pipeline_mode<synchronous>, transform_indices = @transform_7, window_bounds = array<i64: 128, 128>}, {pipeline_mode = #tpu.pipeline_mode<synchronous>, transform_indices = @transform_8, window_bounds = array<i64: 1, 128>}, {pipeline_mode = #tpu.pipeline_mode<synchronous>, transform_indices = @transform_9, window_bounds = array<i64: 1, 128>}, {transform_indices = @transform_10, window_bounds = array<i64: 1000, 128>}, {transform_indices = @transform_11, window_bounds = array<i64: 1000, 512>}, {pipeline_mode = #tpu.pipeline_mode<synchronous>, transform_indices = @transform_12, window_bounds = array<i64: 512, 256>}, {pipeline_mode = #tpu.pipeline_mode<synchronous>, transform_indices = @transform_13, window_bounds = array<i64: 128, 128>}, {pipeline_mode = #tpu.pipeline_mode<synchronous>, transform_indices = @transform_14, window_bounds = array<i64: 1, 128>}, {pipeline_mode = #tpu.pipeline_mode<synchronous>, transform_indices = @transform_15, window_bounds = array<i64: 128, 128>}, {pipeline_mode = #tpu.pipeline_mode<synchronous>, transform_indices = @transform_16, window_bounds = array<i64: 1, 128>}, {pipeline_mode = #tpu.pipeline_mode<synchronous>, transform_indices = @transform_17, window_bounds = array<i64: 256, 128>}, {pipeline_mode = #tpu.pipeline_mode<synchronous>, transform_indices = @transform_18, window_bounds = array<i64: 1, 128>}, {pipeline_mode = #tpu.pipeline_mode<synchronous>, transform_indices = @transform_19, window_bounds = array<i64: 1, 1>}, {pipeline_mode = #tpu.pipeline_mode<synchronous>, transform_indices = @transform_20, window_bounds = array<i64: 1, 1>}, {transform_indices = @transform_21, window_bounds = array<i64: 1000, 128>}]} {
    %get3A = arith.constant 0 : index
    %get3A_0 = arith.constant 0 : index
    %get3A_1 = vector.load %arg3[%get3A, %get3A_0] : memref<1000x16xf32, #tpu.memory_space<vmem>>, vector<1000x16xf32>
    %slice3A = vector.extract_strided_slice %get3A_1 {offsets = [0, 0], sizes = [1000, 1], strides = [1, 1]} : vector<1000x16xf32> to vector<1000x1xf32>
    %get3A_2 = arith.constant 0 : index
    %get3A_3 = arith.constant 0 : index
    %get3A_4 = vector.load %arg4[%get3A_2, %get3A_3] : memref<1000x16xf32, #tpu.memory_space<vmem>>, vector<1000x16xf32>
    %slice3A_5 = vector.extract_strided_slice %get3A_4 {offsets = [0, 0], sizes = [1000, 1], strides = [1, 1]} : vector<1000x16xf32> to vector<1000x1xf32>
    %add3A = arith.addf %slice3A, %slice3A_5 : vector<1000x1xf32>
    %jit3A = arith.constant 1.000000e+00 : f32
    %max3A = vector.broadcast %jit3A : f32 to vector<1000x1xf32>
    %max3A_6 = arith.maximumf %max3A, %add3A : vector<1000x1xf32>
    %get3A_7 = arith.constant 0 : index
    %get3A_8 = arith.constant 0 : index
    %get3A_9 = vector.load %arg1[%get3A_7, %get3A_8] : memref<1000x128xf32, #tpu.memory_space<vmem>>, vector<1000x128xf32>
    %get3A_10 = arith.constant 0 : index
    %get3A_11 = arith.constant 0 : index
    %get3A_12 = vector.load %arg2[%get3A_10, %get3A_11] : memref<1000x128xf32, #tpu.memory_space<vmem>>, vector<1000x128xf32>
    %add3A_13 = arith.addf %get3A_9, %get3A_12 : vector<1000x128xf32>
    %div3A = vector.broadcast %max3A_6 : vector<1000x1xf32> to vector<1000x128xf32>
    %div3A_14 = arith.divf %add3A_13, %div3A : vector<1000x128xf32>
    %get3A_15 = arith.constant 0 : index
    %get3A_16 = arith.constant 0 : index
    %get3A_17 = vector.load %arg6[%get3A_15, %get3A_16] : memref<128x128xf32, #tpu.memory_space<vmem>>, vector<128x128xf32>
    %dot_general3A = arith.constant dense<0.000000e+00> : vector<1000x128xf32>
    %dot_general3A_18 = tpu.matmul %div3A_14, %get3A_17, %dot_general3A {dimension_numbers = #tpu.dot_dimension_numbers<[1], [0], [0], [1], [0, 0, 1, 1], [], []>, transpose_lhs_hint = false} : vector<1000x128xf32>, vector<128x128xf32>, vector<1000x128xf32> -> vector<1000x128xf32>
    %get3A_19 = arith.constant 0 : index
    %get3A_20 = arith.constant 0 : index
    %get3A_21 = vector.load %arg7[%get3A_19, %get3A_20] : memref<1x128xf32, #tpu.memory_space<vmem>>, vector<1x128xf32>
    %add3A_22 = vector.broadcast %get3A_21 : vector<1x128xf32> to vector<1000x128xf32>
    %add3A_23 = arith.addf %dot_general3A_18, %add3A_22 : vector<1000x128xf32>
    %get3A_24 = arith.constant 0 : index
    %get3A_25 = arith.constant 0 : index
    %get3A_26 = vector.load %arg5[%get3A_24, %get3A_25] : memref<1000x128xf32, #tpu.memory_space<vmem>>, vector<1000x128xf32>
    %get3A_27 = arith.constant 0 : index
    %get3A_28 = arith.constant 0 : index
    %get3A_29 = vector.load %arg8[%get3A_27, %get3A_28] : memref<128x128xf32, #tpu.memory_space<vmem>>, vector<128x128xf32>
    %dot_general3A_30 = arith.constant dense<0.000000e+00> : vector<1000x128xf32>
    %dot_general3A_31 = tpu.matmul %get3A_26, %get3A_29, %dot_general3A_30 {dimension_numbers = #tpu.dot_dimension_numbers<[1], [0], [0], [1], [0, 0, 1, 1], [], []>, transpose_lhs_hint = false} : vector<1000x128xf32>, vector<128x128xf32>, vector<1000x128xf32> -> vector<1000x128xf32>
    %add3A_32 = arith.addf %add3A_23, %dot_general3A_31 : vector<1000x128xf32>
    %get3A_33 = arith.constant 0 : index
    %get3A_34 = arith.constant 0 : index
    %get3A_35 = vector.load %arg9[%get3A_33, %get3A_34] : memref<1x128xf32, #tpu.memory_space<vmem>>, vector<1x128xf32>
    %get3A_36 = arith.constant 0 : index
    %get3A_37 = arith.constant 0 : index
    %get3A_38 = vector.load %arg10[%get3A_36, %get3A_37] : memref<1x128xf32, #tpu.memory_space<vmem>>, vector<1x128xf32>
    %reduce_sum3A = arith.constant dense<0.000000e+00> : vector<1000xf32>
    %reduce_sum3A_39 = vector.multi_reduction <add>, %add3A_32, %reduce_sum3A [1] : vector<1000x128xf32> to vector<1000xf32>
    %broadcast_in_dim3A = vector.shape_cast %reduce_sum3A_39 : vector<1000xf32> to vector<1000x1xf32>
    %div3A_40 = arith.constant 1.280000e+02 : f32
    %div3A_41 = vector.broadcast %div3A_40 : f32 to vector<1000x1xf32>
    %div3A_42 = arith.divf %broadcast_in_dim3A, %div3A_41 : vector<1000x1xf32>
    %sub3A = vector.broadcast %div3A_42 : vector<1000x1xf32> to vector<1000x128xf32>
    %sub3A_43 = arith.subf %add3A_32, %sub3A : vector<1000x128xf32>
    %integer_pow3A = arith.mulf %sub3A_43, %sub3A_43 : vector<1000x128xf32>
    %reduce_sum3A_44 = arith.constant dense<0.000000e+00> : vector<1000xf32>
    %reduce_sum3A_45 = vector.multi_reduction <add>, %integer_pow3A, %reduce_sum3A_44 [1] : vector<1000x128xf32> to vector<1000xf32>
    %broadcast_in_dim3A_46 = vector.shape_cast %reduce_sum3A_45 : vector<1000xf32> to vector<1000x1xf32>
    %div3A_47 = arith.constant 1.280000e+02 : f32
    %div3A_48 = vector.broadcast %div3A_47 : f32 to vector<1000x1xf32>
    %div3A_49 = arith.divf %broadcast_in_dim3A_46, %div3A_48 : vector<1000x1xf32>
    %sub3A_50 = vector.broadcast %div3A_42 : vector<1000x1xf32> to vector<1000x128xf32>
    %sub3A_51 = arith.subf %add3A_32, %sub3A_50 : vector<1000x128xf32>
    %add3A_52 = arith.constant 9.99999974E-6 : f32
    %add3A_53 = vector.broadcast %add3A_52 : f32 to vector<1000x1xf32>
    %add3A_54 = arith.addf %div3A_49, %add3A_53 : vector<1000x1xf32>
    %sqrt3A = math.sqrt %add3A_54 : vector<1000x1xf32>
    %div3A_55 = vector.broadcast %sqrt3A : vector<1000x1xf32> to vector<1000x128xf32>
    %div3A_56 = arith.divf %sub3A_51, %div3A_55 : vector<1000x128xf32>
    %mul3A = vector.broadcast %get3A_35 : vector<1x128xf32> to vector<1000x128xf32>
    %mul3A_57 = arith.mulf %div3A_56, %mul3A : vector<1000x128xf32>
    %add3A_58 = vector.broadcast %get3A_38 : vector<1x128xf32> to vector<1000x128xf32>
    %add3A_59 = arith.addf %mul3A_57, %add3A_58 : vector<1000x128xf32>
    %max3A_60 = arith.constant 0.000000e+00 : f32
    %max3A_61 = vector.broadcast %max3A_60 : f32 to vector<1000x128xf32>
    %max3A_62 = arith.maximumf %add3A_59, %max3A_61 : vector<1000x128xf32>
    %get3A_63 = arith.constant 0 : index
    %get3A_64 = arith.constant 0 : index
    %get3A_65 = vector.load %arg13[%get3A_63, %get3A_64] : memref<512x256xf32, #tpu.memory_space<vmem>>, vector<512x256xf32>
    %slice3A_66 = vector.extract_strided_slice %get3A_65 {offsets = [0, 128], sizes = [512, 1], strides = [1, 1]} : vector<512x256xf32> to vector<512x1xf32>
    %slice3A_67 = vector.extract_strided_slice %get3A_65 {offsets = [0, 0], sizes = [512, 128], strides = [1, 1]} : vector<512x256xf32> to vector<512x128xf32>
    %jit3A_68 = arith.constant 1.000000e+00 : f32
    %max3A_69 = vector.broadcast %jit3A_68 : f32 to vector<512x1xf32>
    %max3A_70 = arith.maximumf %max3A_69, %slice3A_66 : vector<512x1xf32>
    %div3A_71 = vector.broadcast %max3A_70 : vector<512x1xf32> to vector<512x128xf32>
    %div3A_72 = arith.divf %slice3A_67, %div3A_71 : vector<512x128xf32>
    %get3A_73 = arith.constant 0 : index
    %get3A_74 = arith.constant 0 : index
    %get3A_75 = vector.load %arg14[%get3A_73, %get3A_74] : memref<128x128xf32, #tpu.memory_space<vmem>>, vector<128x128xf32>
    %dot_general3A_76 = arith.constant dense<0.000000e+00> : vector<512x128xf32>
    %dot_general3A_77 = tpu.matmul %div3A_72, %get3A_75, %dot_general3A_76 {dimension_numbers = #tpu.dot_dimension_numbers<[1], [0], [0], [1], [0, 0, 1, 1], [], []>, transpose_lhs_hint = false} : vector<512x128xf32>, vector<128x128xf32>, vector<512x128xf32> -> vector<512x128xf32>
    %get3A_78 = arith.constant 0 : index
    %get3A_79 = arith.constant 0 : index
    %get3A_80 = vector.load %arg15[%get3A_78, %get3A_79] : memref<1x128xf32, #tpu.memory_space<vmem>>, vector<1x128xf32>
    %add3A_81 = vector.broadcast %get3A_80 : vector<1x128xf32> to vector<512x128xf32>
    %add3A_82 = arith.addf %dot_general3A_77, %add3A_81 : vector<512x128xf32>
    %get3A_83 = arith.constant 0 : index
    %get3A_84 = arith.constant 0 : index
    %get3A_85 = vector.load %arg16[%get3A_83, %get3A_84] : memref<128x128xf32, #tpu.memory_space<vmem>>, vector<128x128xf32>
    %dot_general3A_86 = arith.constant dense<0.000000e+00> : vector<512x128xf32>
    %dot_general3A_87 = tpu.matmul %div3A_72, %get3A_85, %dot_general3A_86 {dimension_numbers = #tpu.dot_dimension_numbers<[1], [0], [0], [1], [0, 0, 1, 1], [], []>, transpose_lhs_hint = false} : vector<512x128xf32>, vector<128x128xf32>, vector<512x128xf32> -> vector<512x128xf32>
    %get3A_88 = arith.constant 0 : index
    %get3A_89 = arith.constant 0 : index
    %get3A_90 = vector.load %arg17[%get3A_88, %get3A_89] : memref<1x128xf32, #tpu.memory_space<vmem>>, vector<1x128xf32>
    %add3A_91 = vector.broadcast %get3A_90 : vector<1x128xf32> to vector<512x128xf32>
    %add3A_92 = arith.addf %dot_general3A_87, %add3A_91 : vector<512x128xf32>
    %log3A = math.log %slice3A_66 : vector<512x1xf32>
    %get3A_93 = arith.constant 0 : index
    %get3A_94 = arith.constant 0 : index
    %get3A_95 = vector.load %arg12[%get3A_93, %get3A_94] : memref<1000x512xi32, #tpu.memory_space<vmem>>, vector<1000x512xi32>
    %convert_element_type3A = arith.sitofp %get3A_95 : vector<1000x512xi32> to vector<1000x512xf32>
    %get3A_96 = arith.constant 0 : index
    %get3A_97 = arith.constant 0 : index
    %get3A_98 = vector.load %arg20[%get3A_96, %get3A_97] : memref<1x1xf32, #tpu.memory_space<vmem>>, vector<1x1xf32>
    %get3A_99 = vector.extract %get3A_98[0, 0] : f32 from vector<1x1xf32>
    %mul3A_100 = vector.broadcast %get3A_99 : f32 to vector<1000x512xf32>
    %mul3A_101 = arith.mulf %convert_element_type3A, %mul3A_100 : vector<1000x512xf32>
    %get3A_102 = arith.constant 0 : index
    %get3A_103 = arith.constant 0 : index
    %get3A_104 = vector.load %arg21[%get3A_102, %get3A_103] : memref<1x1xf32, #tpu.memory_space<vmem>>, vector<1x1xf32>
    %get3A_105 = vector.extract %get3A_104[0, 0] : f32 from vector<1x1xf32>
    %add3A_106 = vector.broadcast %get3A_105 : f32 to vector<1000x512xf32>
    %add3A_107 = arith.addf %mul3A_101, %add3A_106 : vector<1000x512xf32>
    %get3A_108 = arith.constant 0 : index
    %get3A_109 = arith.constant 0 : index
    %get3A_110 = vector.load %arg18[%get3A_108, %get3A_109] : memref<256x128xf32, #tpu.memory_space<vmem>>, vector<256x128xf32>
    %slice3A_111 = vector.extract_strided_slice %get3A_110 {offsets = [0, 0], sizes = [128, 128], strides = [1, 1]} : vector<256x128xf32> to vector<128x128xf32>
    %dot_general3A_112 = arith.constant dense<0.000000e+00> : vector<1000x128xf32>
    %dot_general3A_113 = tpu.matmul %max3A_62, %slice3A_111, %dot_general3A_112 {dimension_numbers = #tpu.dot_dimension_numbers<[1], [0], [0], [1], [0, 0, 1, 1], [], []>, transpose_lhs_hint = false} : vector<1000x128xf32>, vector<128x128xf32>, vector<1000x128xf32> -> vector<1000x128xf32>
    %get3A_114 = arith.constant 0 : index
    %get3A_115 = arith.constant 0 : index
    %get3A_116 = vector.load %arg19[%get3A_114, %get3A_115] : memref<1x128xf32, #tpu.memory_space<vmem>>, vector<1x128xf32>
    %add3A_117 = vector.broadcast %get3A_116 : vector<1x128xf32> to vector<1000x128xf32>
    %add3A_118 = arith.addf %dot_general3A_113, %add3A_117 : vector<1000x128xf32>
    %get3A_119 = arith.constant 0 : index
    %get3A_120 = arith.constant 0 : index
    %get3A_121 = vector.load %arg11[%get3A_119, %get3A_120] : memref<1000x128xf32, #tpu.memory_space<vmem>>, vector<1000x128xf32>
    %mul3A_122 = arith.constant 0.176776692 : f32
    %mul3A_123 = vector.broadcast %mul3A_122 : f32 to vector<1000x128xf32>
    %mul3A_124 = arith.mulf %get3A_121, %mul3A_123 : vector<1000x128xf32>
    %broadcast_in_dim3A_125 = arith.constant 1.000000e+00 : f32
    %broadcast_in_dim3A_126 = vector.broadcast %broadcast_in_dim3A_125 : f32 to vector<1000x1xf32>
    %slice3A_127 = vector.extract_strided_slice %mul3A_124 {offsets = [0, 0], sizes = [1000, 32], strides = [1, 1]} : vector<1000x128xf32> to vector<1000x32xf32>
    %concatenate3A = tpu.concatenate %slice3A_127, %broadcast_in_dim3A_126 in 1 : vector<1000x32xf32>, vector<1000x1xf32> -> vector<1000x33xf32>
    %slice3A_128 = vector.extract_strided_slice %add3A_82 {offsets = [0, 0], sizes = [512, 32], strides = [1, 1]} : vector<512x128xf32> to vector<512x32xf32>
    %concatenate3A_129 = tpu.concatenate %slice3A_128, %log3A in 1 : vector<512x32xf32>, vector<512x1xf32> -> vector<512x33xf32>
    %dot_general3A_130 = arith.constant dense<0.000000e+00> : vector<1000x512xf32>
    %dot_general3A_131 = tpu.matmul %concatenate3A, %concatenate3A_129, %dot_general3A_130 {dimension_numbers = #tpu.dot_dimension_numbers<[1], [1], [0], [0], [0, 0, 1, 0], [], []>, transpose_lhs_hint = false} : vector<1000x33xf32>, vector<512x33xf32>, vector<1000x512xf32> -> vector<1000x512xf32>
    %add3A_132 = arith.addf %dot_general3A_131, %add3A_107 : vector<1000x512xf32>
    %reduce_max3A = arith.constant dense<0xFF800000> : vector<1000xf32>
    %reduce_max3A_133 = vector.multi_reduction <maximumf>, %add3A_132, %reduce_max3A [1] : vector<1000x512xf32> to vector<1000xf32>
    %broadcast_in_dim3A_134 = vector.shape_cast %reduce_max3A_133 : vector<1000xf32> to vector<1000x1xf32>
    %sub3A_135 = vector.broadcast %broadcast_in_dim3A_134 : vector<1000x1xf32> to vector<1000x512xf32>
    %sub3A_136 = arith.subf %add3A_132, %sub3A_135 : vector<1000x512xf32>
    %exp3A = math.exp %sub3A_136 : vector<1000x512xf32>
    %reduce_sum3A_137 = arith.constant dense<0.000000e+00> : vector<1000xf32>
    %reduce_sum3A_138 = vector.multi_reduction <add>, %exp3A, %reduce_sum3A_137 [1] : vector<1000x512xf32> to vector<1000xf32>
    %broadcast_in_dim3A_139 = vector.shape_cast %reduce_sum3A_138 : vector<1000xf32> to vector<1000x1xf32>
    %div3A_140 = vector.broadcast %broadcast_in_dim3A_139 : vector<1000x1xf32> to vector<1000x512xf32>
    %div3A_141 = arith.divf %exp3A, %div3A_140 : vector<1000x512xf32>
    %slice3A_142 = vector.extract_strided_slice %add3A_92 {offsets = [0, 0], sizes = [512, 32], strides = [1, 1]} : vector<512x128xf32> to vector<512x32xf32>
    %dot_general3A_143 = arith.constant dense<0.000000e+00> : vector<1000x32xf32>
    %dot_general3A_144 = tpu.matmul %div3A_141, %slice3A_142, %dot_general3A_143 {dimension_numbers = #tpu.dot_dimension_numbers<[1], [0], [0], [1], [0, 0, 1, 1], [], []>, transpose_lhs_hint = false} : vector<1000x512xf32>, vector<512x32xf32>, vector<1000x32xf32> -> vector<1000x32xf32>
    %slice3A_145 = vector.extract_strided_slice %get3A_110 {offsets = [128, 0], sizes = [32, 128], strides = [1, 1]} : vector<256x128xf32> to vector<32x128xf32>
    %dot_general3A_146 = arith.constant dense<0.000000e+00> : vector<1000x128xf32>
    %dot_general3A_147 = tpu.matmul %dot_general3A_144, %slice3A_145, %dot_general3A_146 {dimension_numbers = #tpu.dot_dimension_numbers<[1], [0], [0], [1], [0, 0, 1, 1], [], []>, transpose_lhs_hint = false} : vector<1000x32xf32>, vector<32x128xf32>, vector<1000x128xf32> -> vector<1000x128xf32>
    %add3A_148 = arith.addf %add3A_118, %dot_general3A_147 : vector<1000x128xf32>
    %slice3A_149 = vector.extract_strided_slice %mul3A_124 {offsets = [0, 32], sizes = [1000, 32], strides = [1, 1]} : vector<1000x128xf32> to vector<1000x32xf32>
    %concatenate3A_150 = tpu.concatenate %slice3A_149, %broadcast_in_dim3A_126 in 1 : vector<1000x32xf32>, vector<1000x1xf32> -> vector<1000x33xf32>
    %slice3A_151 = vector.extract_strided_slice %add3A_82 {offsets = [0, 32], sizes = [512, 32], strides = [1, 1]} : vector<512x128xf32> to vector<512x32xf32>
    %concatenate3A_152 = tpu.concatenate %slice3A_151, %log3A in 1 : vector<512x32xf32>, vector<512x1xf32> -> vector<512x33xf32>
    %dot_general3A_153 = arith.constant dense<0.000000e+00> : vector<1000x512xf32>
    %dot_general3A_154 = tpu.matmul %concatenate3A_150, %concatenate3A_152, %dot_general3A_153 {dimension_numbers = #tpu.dot_dimension_numbers<[1], [1], [0], [0], [0, 0, 1, 0], [], []>, transpose_lhs_hint = false} : vector<1000x33xf32>, vector<512x33xf32>, vector<1000x512xf32> -> vector<1000x512xf32>
    %add3A_155 = arith.addf %dot_general3A_154, %add3A_107 : vector<1000x512xf32>
    %reduce_max3A_156 = arith.constant dense<0xFF800000> : vector<1000xf32>
    %reduce_max3A_157 = vector.multi_reduction <maximumf>, %add3A_155, %reduce_max3A_156 [1] : vector<1000x512xf32> to vector<1000xf32>
    %broadcast_in_dim3A_158 = vector.shape_cast %reduce_max3A_157 : vector<1000xf32> to vector<1000x1xf32>
    %sub3A_159 = vector.broadcast %broadcast_in_dim3A_158 : vector<1000x1xf32> to vector<1000x512xf32>
    %sub3A_160 = arith.subf %add3A_155, %sub3A_159 : vector<1000x512xf32>
    %exp3A_161 = math.exp %sub3A_160 : vector<1000x512xf32>
    %reduce_sum3A_162 = arith.constant dense<0.000000e+00> : vector<1000xf32>
    %reduce_sum3A_163 = vector.multi_reduction <add>, %exp3A_161, %reduce_sum3A_162 [1] : vector<1000x512xf32> to vector<1000xf32>
    %broadcast_in_dim3A_164 = vector.shape_cast %reduce_sum3A_163 : vector<1000xf32> to vector<1000x1xf32>
    %div3A_165 = vector.broadcast %broadcast_in_dim3A_164 : vector<1000x1xf32> to vector<1000x512xf32>
    %div3A_166 = arith.divf %exp3A_161, %div3A_165 : vector<1000x512xf32>
    %slice3A_167 = vector.extract_strided_slice %add3A_92 {offsets = [0, 32], sizes = [512, 32], strides = [1, 1]} : vector<512x128xf32> to vector<512x32xf32>
    %dot_general3A_168 = arith.constant dense<0.000000e+00> : vector<1000x32xf32>
    %dot_general3A_169 = tpu.matmul %div3A_166, %slice3A_167, %dot_general3A_168 {dimension_numbers = #tpu.dot_dimension_numbers<[1], [0], [0], [1], [0, 0, 1, 1], [], []>, transpose_lhs_hint = false} : vector<1000x512xf32>, vector<512x32xf32>, vector<1000x32xf32> -> vector<1000x32xf32>
    %slice3A_170 = vector.extract_strided_slice %get3A_110 {offsets = [160, 0], sizes = [32, 128], strides = [1, 1]} : vector<256x128xf32> to vector<32x128xf32>
    %dot_general3A_171 = arith.constant dense<0.000000e+00> : vector<1000x128xf32>
    %dot_general3A_172 = tpu.matmul %dot_general3A_169, %slice3A_170, %dot_general3A_171 {dimension_numbers = #tpu.dot_dimension_numbers<[1], [0], [0], [1], [0, 0, 1, 1], [], []>, transpose_lhs_hint = false} : vector<1000x32xf32>, vector<32x128xf32>, vector<1000x128xf32> -> vector<1000x128xf32>
    %add3A_173 = arith.addf %add3A_148, %dot_general3A_172 : vector<1000x128xf32>
    %slice3A_174 = vector.extract_strided_slice %mul3A_124 {offsets = [0, 64], sizes = [1000, 32], strides = [1, 1]} : vector<1000x128xf32> to vector<1000x32xf32>
    %concatenate3A_175 = tpu.concatenate %slice3A_174, %broadcast_in_dim3A_126 in 1 : vector<1000x32xf32>, vector<1000x1xf32> -> vector<1000x33xf32>
    %slice3A_176 = vector.extract_strided_slice %add3A_82 {offsets = [0, 64], sizes = [512, 32], strides = [1, 1]} : vector<512x128xf32> to vector<512x32xf32>
    %concatenate3A_177 = tpu.concatenate %slice3A_176, %log3A in 1 : vector<512x32xf32>, vector<512x1xf32> -> vector<512x33xf32>
    %dot_general3A_178 = arith.constant dense<0.000000e+00> : vector<1000x512xf32>
    %dot_general3A_179 = tpu.matmul %concatenate3A_175, %concatenate3A_177, %dot_general3A_178 {dimension_numbers = #tpu.dot_dimension_numbers<[1], [1], [0], [0], [0, 0, 1, 0], [], []>, transpose_lhs_hint = false} : vector<1000x33xf32>, vector<512x33xf32>, vector<1000x512xf32> -> vector<1000x512xf32>
    %add3A_180 = arith.addf %dot_general3A_179, %add3A_107 : vector<1000x512xf32>
    %reduce_max3A_181 = arith.constant dense<0xFF800000> : vector<1000xf32>
    %reduce_max3A_182 = vector.multi_reduction <maximumf>, %add3A_180, %reduce_max3A_181 [1] : vector<1000x512xf32> to vector<1000xf32>
    %broadcast_in_dim3A_183 = vector.shape_cast %reduce_max3A_182 : vector<1000xf32> to vector<1000x1xf32>
    %sub3A_184 = vector.broadcast %broadcast_in_dim3A_183 : vector<1000x1xf32> to vector<1000x512xf32>
    %sub3A_185 = arith.subf %add3A_180, %sub3A_184 : vector<1000x512xf32>
    %exp3A_186 = math.exp %sub3A_185 : vector<1000x512xf32>
    %reduce_sum3A_187 = arith.constant dense<0.000000e+00> : vector<1000xf32>
    %reduce_sum3A_188 = vector.multi_reduction <add>, %exp3A_186, %reduce_sum3A_187 [1] : vector<1000x512xf32> to vector<1000xf32>
    %broadcast_in_dim3A_189 = vector.shape_cast %reduce_sum3A_188 : vector<1000xf32> to vector<1000x1xf32>
    %div3A_190 = vector.broadcast %broadcast_in_dim3A_189 : vector<1000x1xf32> to vector<1000x512xf32>
    %div3A_191 = arith.divf %exp3A_186, %div3A_190 : vector<1000x512xf32>
    %slice3A_192 = vector.extract_strided_slice %add3A_92 {offsets = [0, 64], sizes = [512, 32], strides = [1, 1]} : vector<512x128xf32> to vector<512x32xf32>
    %dot_general3A_193 = arith.constant dense<0.000000e+00> : vector<1000x32xf32>
    %dot_general3A_194 = tpu.matmul %div3A_191, %slice3A_192, %dot_general3A_193 {dimension_numbers = #tpu.dot_dimension_numbers<[1], [0], [0], [1], [0, 0, 1, 1], [], []>, transpose_lhs_hint = false} : vector<1000x512xf32>, vector<512x32xf32>, vector<1000x32xf32> -> vector<1000x32xf32>
    %slice3A_195 = vector.extract_strided_slice %get3A_110 {offsets = [192, 0], sizes = [32, 128], strides = [1, 1]} : vector<256x128xf32> to vector<32x128xf32>
    %dot_general3A_196 = arith.constant dense<0.000000e+00> : vector<1000x128xf32>
    %dot_general3A_197 = tpu.matmul %dot_general3A_194, %slice3A_195, %dot_general3A_196 {dimension_numbers = #tpu.dot_dimension_numbers<[1], [0], [0], [1], [0, 0, 1, 1], [], []>, transpose_lhs_hint = false} : vector<1000x32xf32>, vector<32x128xf32>, vector<1000x128xf32> -> vector<1000x128xf32>
    %add3A_198 = arith.addf %add3A_173, %dot_general3A_197 : vector<1000x128xf32>
    %slice3A_199 = vector.extract_strided_slice %mul3A_124 {offsets = [0, 96], sizes = [1000, 32], strides = [1, 1]} : vector<1000x128xf32> to vector<1000x32xf32>
    %concatenate3A_200 = tpu.concatenate %slice3A_199, %broadcast_in_dim3A_126 in 1 : vector<1000x32xf32>, vector<1000x1xf32> -> vector<1000x33xf32>
    %slice3A_201 = vector.extract_strided_slice %add3A_82 {offsets = [0, 96], sizes = [512, 32], strides = [1, 1]} : vector<512x128xf32> to vector<512x32xf32>
    %concatenate3A_202 = tpu.concatenate %slice3A_201, %log3A in 1 : vector<512x32xf32>, vector<512x1xf32> -> vector<512x33xf32>
    %dot_general3A_203 = arith.constant dense<0.000000e+00> : vector<1000x512xf32>
    %dot_general3A_204 = tpu.matmul %concatenate3A_200, %concatenate3A_202, %dot_general3A_203 {dimension_numbers = #tpu.dot_dimension_numbers<[1], [1], [0], [0], [0, 0, 1, 0], [], []>, transpose_lhs_hint = false} : vector<1000x33xf32>, vector<512x33xf32>, vector<1000x512xf32> -> vector<1000x512xf32>
    %add3A_205 = arith.addf %dot_general3A_204, %add3A_107 : vector<1000x512xf32>
    %reduce_max3A_206 = arith.constant dense<0xFF800000> : vector<1000xf32>
    %reduce_max3A_207 = vector.multi_reduction <maximumf>, %add3A_205, %reduce_max3A_206 [1] : vector<1000x512xf32> to vector<1000xf32>
    %broadcast_in_dim3A_208 = vector.shape_cast %reduce_max3A_207 : vector<1000xf32> to vector<1000x1xf32>
    %sub3A_209 = vector.broadcast %broadcast_in_dim3A_208 : vector<1000x1xf32> to vector<1000x512xf32>
    %sub3A_210 = arith.subf %add3A_205, %sub3A_209 : vector<1000x512xf32>
    %exp3A_211 = math.exp %sub3A_210 : vector<1000x512xf32>
    %reduce_sum3A_212 = arith.constant dense<0.000000e+00> : vector<1000xf32>
    %reduce_sum3A_213 = vector.multi_reduction <add>, %exp3A_211, %reduce_sum3A_212 [1] : vector<1000x512xf32> to vector<1000xf32>
    %broadcast_in_dim3A_214 = vector.shape_cast %reduce_sum3A_213 : vector<1000xf32> to vector<1000x1xf32>
    %div3A_215 = vector.broadcast %broadcast_in_dim3A_214 : vector<1000x1xf32> to vector<1000x512xf32>
    %div3A_216 = arith.divf %exp3A_211, %div3A_215 : vector<1000x512xf32>
    %slice3A_217 = vector.extract_strided_slice %add3A_92 {offsets = [0, 96], sizes = [512, 32], strides = [1, 1]} : vector<512x128xf32> to vector<512x32xf32>
    %dot_general3A_218 = arith.constant dense<0.000000e+00> : vector<1000x32xf32>
    %dot_general3A_219 = tpu.matmul %div3A_216, %slice3A_217, %dot_general3A_218 {dimension_numbers = #tpu.dot_dimension_numbers<[1], [0], [0], [1], [0, 0, 1, 1], [], []>, transpose_lhs_hint = false} : vector<1000x512xf32>, vector<512x32xf32>, vector<1000x32xf32> -> vector<1000x32xf32>
    %slice3A_220 = vector.extract_strided_slice %get3A_110 {offsets = [224, 0], sizes = [32, 128], strides = [1, 1]} : vector<256x128xf32> to vector<32x128xf32>
    %dot_general3A_221 = arith.constant dense<0.000000e+00> : vector<1000x128xf32>
    %dot_general3A_222 = tpu.matmul %dot_general3A_219, %slice3A_220, %dot_general3A_221 {dimension_numbers = #tpu.dot_dimension_numbers<[1], [0], [0], [1], [0, 0, 1, 1], [], []>, transpose_lhs_hint = false} : vector<1000x32xf32>, vector<32x128xf32>, vector<1000x128xf32> -> vector<1000x128xf32>
    %add3A_223 = arith.addf %add3A_198, %dot_general3A_222 : vector<1000x128xf32>
    %swap3A = arith.constant 0 : index
    %swap3A_224 = arith.constant 0 : index
    %swap3A_225 = vector.load %arg22[%swap3A, %swap3A_224] : memref<1000x128xf32, #tpu.memory_space<vmem>>, vector<1000x128xf32>
    tpu.vector_store %arg22[%swap3A, %swap3A_224], %add3A_223 {strides = array<i32>} : memref<1000x128xf32, #tpu.memory_space<vmem>>, vector<1000x128xf32>,
    return
  }
  func.func @transform_0(%arg0: i32) -> (i32, i32) {
    %c0_i32 = arith.constant 0 : i32
    %c0_i32_0 = arith.constant 0 : i32
    return %arg0, %c0_i32 : i32, i32
  }
  func.func @transform_1(%arg0: i32) -> (i32, i32) {
    %c0_i32 = arith.constant 0 : i32
    %c0_i32_0 = arith.constant 0 : i32
    return %arg0, %c0_i32 : i32, i32
  }
  func.func @transform_2(%arg0: i32) -> (i32, i32) {
    %c0_i32 = arith.constant 0 : i32
    %c0_i32_0 = arith.constant 0 : i32
    return %arg0, %c0_i32 : i32, i32
  }
  func.func @transform_3(%arg0: i32) -> (i32, i32) {
    %c0_i32 = arith.constant 0 : i32
    %c0_i32_0 = arith.constant 0 : i32
    return %arg0, %c0_i32 : i32, i32
  }
  func.func @transform_4(%arg0: i32) -> (i32, i32) {
    %c0_i32 = arith.constant 0 : i32
    %c0_i32_0 = arith.constant 0 : i32
    return %arg0, %c0_i32 : i32, i32
  }
  func.func @transform_5(%arg0: i32) -> (i32, i32) {
    %c0_i32 = arith.constant 0 : i32
    %c0_i32_0 = arith.constant 0 : i32
    %c0_i32_1 = arith.constant 0 : i32
    return %c0_i32, %c0_i32_0 : i32, i32
  }
  func.func @transform_6(%arg0: i32) -> (i32, i32) {
    %c0_i32 = arith.constant 0 : i32
    %c0_i32_0 = arith.constant 0 : i32
    %c0_i32_1 = arith.constant 0 : i32
    return %c0_i32, %c0_i32_0 : i32, i32
  }
  func.func @transform_7(%arg0: i32) -> (i32, i32) {
    %c0_i32 = arith.constant 0 : i32
    %c0_i32_0 = arith.constant 0 : i32
    %c0_i32_1 = arith.constant 0 : i32
    return %c0_i32, %c0_i32_0 : i32, i32
  }
  func.func @transform_8(%arg0: i32) -> (i32, i32) {
    %c0_i32 = arith.constant 0 : i32
    %c0_i32_0 = arith.constant 0 : i32
    %c0_i32_1 = arith.constant 0 : i32
    return %c0_i32, %c0_i32_0 : i32, i32
  }
  func.func @transform_9(%arg0: i32) -> (i32, i32) {
    %c0_i32 = arith.constant 0 : i32
    %c0_i32_0 = arith.constant 0 : i32
    %c0_i32_1 = arith.constant 0 : i32
    return %c0_i32, %c0_i32_0 : i32, i32
  }
  func.func @transform_10(%arg0: i32) -> (i32, i32) {
    %c0_i32 = arith.constant 0 : i32
    %c0_i32_0 = arith.constant 0 : i32
    return %arg0, %c0_i32 : i32, i32
  }
  func.func @transform_11(%arg0: i32) -> (i32, i32) {
    %c0_i32 = arith.constant 0 : i32
    %c0_i32_0 = arith.constant 0 : i32
    return %arg0, %c0_i32 : i32, i32
  }
  func.func @transform_12(%arg0: i32) -> (i32, i32) {
    %c0_i32 = arith.constant 0 : i32
    %c0_i32_0 = arith.constant 0 : i32
    %c0_i32_1 = arith.constant 0 : i32
    return %c0_i32, %c0_i32_0 : i32, i32
  }
  func.func @transform_13(%arg0: i32) -> (i32, i32) {
    %c0_i32 = arith.constant 0 : i32
    %c0_i32_0 = arith.constant 0 : i32
    %c0_i32_1 = arith.constant 0 : i32
    return %c0_i32, %c0_i32_0 : i32, i32
  }
  func.func @transform_14(%arg0: i32) -> (i32, i32) {
    %c0_i32 = arith.constant 0 : i32
    %c0_i32_0 = arith.constant 0 : i32
    %c0_i32_1 = arith.constant 0 : i32
    return %c0_i32, %c0_i32_0 : i32, i32
  }
  func.func @transform_15(%arg0: i32) -> (i32, i32) {
    %c0_i32 = arith.constant 0 : i32
    %c0_i32_0 = arith.constant 0 : i32
    %c0_i32_1 = arith.constant 0 : i32
    return %c0_i32, %c0_i32_0 : i32, i32
  }
  func.func @transform_16(%arg0: i32) -> (i32, i32) {
    %c0_i32 = arith.constant 0 : i32
    %c0_i32_0 = arith.constant 0 : i32
    %c0_i32_1 = arith.constant 0 : i32
    return %c0_i32, %c0_i32_0 : i32, i32
  }
  func.func @transform_17(%arg0: i32) -> (i32, i32) {
    %c0_i32 = arith.constant 0 : i32
    %c0_i32_0 = arith.constant 0 : i32
    %c0_i32_1 = arith.constant 0 : i32
    return %c0_i32, %c0_i32_0 : i32, i32
  }
  func.func @transform_18(%arg0: i32) -> (i32, i32) {
    %c0_i32 = arith.constant 0 : i32
    %c0_i32_0 = arith.constant 0 : i32
    %c0_i32_1 = arith.constant 0 : i32
    return %c0_i32, %c0_i32_0 : i32, i32
  }
  func.func @transform_19(%arg0: i32) -> (i32, i32) {
    %c0_i32 = arith.constant 0 : i32
    %c0_i32_0 = arith.constant 0 : i32
    %c0_i32_1 = arith.constant 0 : i32
    return %c0_i32, %c0_i32_0 : i32, i32
  }
  func.func @transform_20(%arg0: i32) -> (i32, i32) {
    %c0_i32 = arith.constant 0 : i32
    %c0_i32_0 = arith.constant 0 : i32
    %c0_i32_1 = arith.constant 0 : i32
    return %c0_i32, %c0_i32_0 : i32, i32
  }
  func.func @transform_21(%arg0: i32) -> (i32, i32) {
    %c0_i32 = arith.constant 0 : i32
    %c0_i32_0 = arith.constant 0 : i32
    return %arg0, %c0_i32 : i32, i32
  }
}

</mosaic_0001>

<sc_bundles>
// kernel: kernel.12.cloned.1.call-start
scs
__scs_entry_jumppad:
0x0: {  	(pc) =	sbr.rel $0x88, $3  }
0x1: {  	(tag) =	ssettag $0x0;
	lr =	simm.s32 $0x1  }
0x2: {  	[smem:$0x3F88] =	sst lr;
	_ =	strace $0xD0000000  }
0x3: {  	_ = 	snop  }
0x4: {  	_ = 	snop  }
0x5: {  	_ = 	snop  }
0x6: {  	_ = 	snop  }
0x7: {  	_ = 	snop  }
__scs_overlays_trampoline_lowered:
0x8: {  	[smem:$0x3F97] =	sst s0  }
0x9: {  	[smem:$0x3F98] =	sst s1  }
0xa: {  	[smem:$0x3F99] =	sst s2  }
0xb: {  	[smem:$0x3F9A] =	sst s3  }
0xc: {  	[smem:$0x3F9B] =	sst s4  }
0xd: {  	[smem:$0x3F9C] =	sst s5  }
0xe: {  	[smem:$0x3F9D] =	sst s6  }
0xf: {  	[smem:$0x3F9E] =	sst s7  }
0x10: {  	[smem:$0x3F9F] =	sst s8  }
0x11: {  	[smem:$0x3FA0] =	sst s9;
	s0 =	simm.s32 @!p0 $0x0  }
0x12: {  	s1 =	sld [smem:$0x3F86];
	s0 =	simm.s32 @p0 $0x1  }
0x13: {  	[smem:$0x3FA1] =	sst s0;
	s0 =	simm.s32 @!p1 $0x0  }
0x14: {  	s2 =	sld [smem:$0x3F85];
	s0 =	simm.s32 @p1 $0x1  }
0x15: {  	[smem:$0x3FA2] =	sst s0;
	s0 =	simm.s32 @!p2 $0x0  }
0x16: {  	s3 =	sld [smem:$0x3FDB];
	s0 =	simm.s32 @p2 $0x1  }
0x17: {  	s4 =	simm.s32 $0x1BF5;
	[smem:$0x3FA4] =	sst s0  }
0x18: {  	s0 =	sld [smem:$0x3F87];
	_ =	swait.ge [sflag:s4], $0x0  }
0x19: {  	s7 =	sld [smem:$0x3F88]  }
0x1a: {  	s8 =	sadd.s32 $0xFFFFE003, lr  }
0x1b: {  	s9 =	sadd.s32 $0xFFFFFEF7, lr;
	s5 =	simm.s32 $0xFFFFFFFF;
	p2 =	slt.u32 s8, $0xFFFFF086  }
0x1c: {  	p1 =	slt.u32 s9, $0xF7A;
	s5 =	simm.s32 @!p2 $0x0  }
0x1d: {  	s5 =	simm.s32 @p1 $0x1;
	p0 =	seq.s32 s7, s2  }
0x1e: {  	s7 =	smul.u32 @!p0 $0xF7A, s2;
	p2 =	seq.s32 @!p0 s5, $0x0  }
0x1f: {  	s9 =	smul.u32 $0xF7A, s1;
	s8 =	simm.s32 @!p0 $0x1BF5;
	p2 =	por !p2, p0  }
0x20: {  	[sflag:s8] =	ssyncset.s32 @!p0 $0xFFFFF086;
	s6 =	sadd.s32 @!p0 s3, s7;
	s7 =	simm.s32 @!p0 $0x108  }
0x21: {  	s3 =	sadd.s32 s3, s9;
	s6 =	sadd.s32 @!p0 $0x88, s6;
	s7 =	simm.s32 @p2 $0x1082  }
0x22: {  	[simem:s7], [sflag:s8] =	dma.local @!p0 [hbm:s6], $0xF7A  }
0x23: {  	s9 =	sor.u32 $0xD0000000, s2;
	s6 =	simm.s32 $0x108;
	_ =	swait.ge @!p0 [sflag:s8], $0x0  }
0x24: {  	s3 =	sadd.s32 $0x88, s3;
	s6 =	simm.s32 @!p1 $0x1082;
	[sflag:s4] =	ssyncset.s32 $0xFFFFF086  }
0x25: {  	[simem:s6], [sflag:s4] =	dma.local [hbm:s3], $0xF7A  }
0x26: {  	[smem:$0x3F88] =	sst s1;
	(tag) =	ssettag s2;
	_ =	strace s9  }
0x27: {  	s1 =	sld [smem:$0x3F98]  }
0x28: {  	s2 =	sld [smem:$0x3F99]  }
0x29: {  	s4 =	sld [smem:$0x3F9B]  }
0x2a: {  	p0 =	seq.s32 s5, $0x0;
	s5 =	sld [smem:$0x3F9C]  }
0x2b: {  	s6 =	sld [smem:$0x3F9D]  }
0x2c: {  	s7 =	sld [smem:$0x3F9E]  }
0x2d: {  	s3 =	simm.s32 $0x108;
	s8 =	sld [smem:$0x3F9F]  }
0x2e: {  	s3 =	simm.s32 @!p0 $0x1082;
	s9 =	sld [smem:$0x3FA0]  }
0x2f: {  	lr =	sadd.s32 s0, s3;
	s0 =	sld [smem:$0x3F97]  }
0x30: {  	s3 =	sld [smem:$0x3F9A]  }
0x31: {  	[smem:$0x3FA3] =	sst s10  }
0x32: {  	s10 =	sld [smem:$0x3FA1];
	_ =	sdelay $0x3  }
0x33: {  	p0 =	seq.s32 s10, $0x1;
	s10 =	sld [smem:$0x3FA3];
	_ =	sdelay $0x3  }
0x34: {  	[smem:$0x3FA3] =	sst s10  }
0x35: {  	s10 =	sld [smem:$0x3FA2];
	_ =	sdelay $0x3  }
0x36: {  	p1 =	seq.s32 s10, $0x1;
	s10 =	sld [smem:$0x3FA3];
	_ =	sdelay $0x3  }
0x37: {  	[smem:$0x3FA3] =	sst s10  }
0x38: {  	s10 =	sld [smem:$0x3FA4]  }
0x39: {  	_ = 	snop;
	(pc) =	sbr.ind lr, $3  }
0x3a: {  	_ = 	snop  }
0x3b: {  	_ = 	snop  }
0x3c: {  	p2 =	seq.s32 s10, $0x1;
	s10 =	sld [smem:$0x3FA3]  }
0x3d: {  	_ =	shalt  }
0x3e: {  	_ =	shalt  }
0x3f: {  	_ =	shalt  }
0x40: {  	_ =	shalt  }
0x41: {  	_ =	shalt  }
0x42: {  	_ =	shalt  }
0x43: {  	_ =	shalt  }
0x44: {  	_ =	shalt  }
0x45: {  	_ =	shalt  }
0x46: {  	_ =	shalt  }
0x47: {  	_ =	shalt  }
0x48: {  	_ =	shalt  }
0x49: {  	_ =	shalt  }
0x4a: {  	_ =	shalt  }
0x4b: {  	_ =	shalt  }
0x4c: {  	_ =	shalt  }
0x4d: {  	_ =	shalt  }
0x4e: {  	_ =	shalt  }
0x4f: {  	_ =	shalt  }
0x50: {  	_ =	shalt  }
0x51: {  	_ =	shalt  }
0x52: {  	_ =	shalt  }
0x53: {  	_ =	shalt  }
0x54: {  	_ =	shalt  }
0x55: {  	_ =	shalt  }
0x56: {  	_ =	shalt  }
0x57: {  	_ =	shalt  }
0x58: {  	_ =	shalt  }
0x59: {  	_ =	shalt  }
0x5a: {  	_ =	shalt  }
0x5b: {  	_ =	shalt  }
0x5c: {  	_ =	shalt  }
0x5d: {  	_ =	shalt  }
0x5e: {  	_ =	shalt  }
0x5f: {  	_ =	shalt  }
0x60: {  	_ =	shalt  }
0x61: {  	_ =	shalt  }
0x62: {  	_ =	shalt  }
0x63: {  	_ =	shalt  }
0x64: {  	_ =	shalt  }
0x65: {  	_ =	shalt  }
0x66: {  	_ =	shalt  }
0x67: {  	_ =	shalt  }
0x68: {  	_ =	shalt  }
0x69: {  	_ =	shalt  }
0x6a: {  	_ =	shalt  }
0x6b: {  	_ =	shalt  }
0x6c: {  	_ =	shalt  }
0x6d: {  	_ =	shalt  }
0x6e: {  	_ =	shalt  }
0x6f: {  	_ =	shalt  }
0x70: {  	_ =	shalt  }
0x71: {  	_ =	shalt  }
0x72: {  	_ =	shalt  }
0x73: {  	_ =	shalt  }
0x74: {  	_ =	shalt  }
0x75: {  	_ =	shalt  }
0x76: {  	_ =	shalt  }
0x77: {  	_ =	shalt  }
0x78: {  	_ =	shalt  }
0x79: {  	_ =	shalt  }
0x7a: {  	_ =	shalt  }
0x7b: {  	_ =	shalt  }
0x7c: {  	_ =	shalt  }
0x7d: {  	_ =	shalt  }
0x7e: {  	_ =	shalt  }
0x7f: {  	_ =	shalt  }
0x80: {  	_ =	shalt  }
0x81: {  	_ =	shalt  }
0x82: {  	_ =	shalt  }
0x83: {  	_ =	shalt  }
0x84: {  	_ =	shalt  }
0x85: {  	_ =	shalt  }
0x86: {  	_ =	shalt  }
0x87: {  	_ =	shalt  }
.Lfunc_end0:
.L_simem_size_0:
called_computation.1_lowered:
.L_overlay_start_0:
0x88: {  	s2 =	sld [smem:$0x3FD9]  }
0x89: {  	s3 =	sld [smem:$0x3FFE];
	_ =	sdelay $0x1  }
0x8a: {  	s1 =	srdreg.scid  }
0x8b: {  	s0 =	sand.u32 $0x1, s1  }
0x8c: {  	s17 =	sshll.u32 s0, $0xA;
	s2 =	sadd.s32 s3, s2  }
0x8d: {  	s2 =	sadd.s32 s2, s17  }
0x8e: {  	[smem:$0x3FAF] =	sst s2  }
0x8f: {  	_ = 	snop  }
0x90: {  	s2 =	sld [smem:$0x3FD0];
	(tm) =	ssettm $0x1  }
0x91: {  	s18 =	sld [smem:$0x3FFB];
	_ =	sdelay $0x3  }
0x92: {  	_ =	strace s18  }
0x93: {  	s3 =	sld [smem:$0x3FFC];
	_ =	sdelay $0x3  }
0x94: {  	_ =	strace s3  }
0x95: {  	s3 =	sld [smem:$0x3FFD];
	_ =	sdelay $0x3  }
0x96: {  	_ =	strace s3  }
0x97: {  	_ =	strace $0x8FFFFFFF  }
0x98: {  	s19 =	sld [smem:$0x3FDB];
	_ =	sdelay $0x1  }
0x99: {  	s4 =	simm.s32 $_scs_section_size  }
0x9a: {  	s5 =	simm.s32 $_size__tile_overlayer_lowered;
	s6 =	simm.s32 $_tile_overlayer_lowered  }
0x9b: {  	s22 =	simm.s32 $0x1BFF;
	s21 =	sshll.u32 s6, $0x1;
	s3 =	sadd.s32 s4, s19  }
0x9c: {  	s7 =	simm.s32 $0x0;
	s20 =	sshll.u32 s5, $0x1;
	s5 =	sadd.s32 s21, s3  }
0x9d: {  	[timem:s7], [sflag:s22] =	dma.local [hbm:s5], s20  }
0x9e: {  	_ =	swait.ge [sflag:s22], s20  }
0x9f: {  	s4 =	ssub.s32 $0x0, s20;
	[sflag:s22] =	ssyncset.done $0x0  }
0xa0: {  	[sflag:s22] =	ssyncadd.s32 s4;
	_ =	sdelay $0x1  }
0xa1: {  	s23 =	simm.s32 $0x1B8B  }
0xa2: {  	_ =	swait.ge [sflag:s23], $0x1  }
0xa3: {  	[sflag:s23] =	ssyncset.done $0x0  }
0xa4: {  	s25 =	simm.s32 $0x1B8E;
	s24 =	sld [smem:$0x3FFE];
	[sflag:s23] =	ssyncadd.s32 $0xFFFFFFFF  }
0xa5: {  	s26 =	simm.s32 $execute0_lowered;
	[smem:$0x3FD2] =	sst s25  }
0xa6: {  	s5 =	sshll.u32 s26, $0x1;
	_ =	strace $0x80000046;
	[dreg:$0x1] =	wrdreg $0xFFFFFFFF  }
0xa7: {  	s28 =	simm.s32 $_size_execute0_lowered;
	s3 =	sadd.s32 s3, s5;
	[dreg:$0x0] =	wrdreg $0x0  }
0xa8: {  	s5 =	sshll.u32 s28, $0x1;
	[dreg:$0x2] =	wrdreg s3  }
0xa9: {  	[dreg:$0x3] =	wrdreg s5  }
0xaa: {  	[dreg:$0x4] =	wrdreg $0xC0  }
0xab: {  	_ =	task [dreg:s7], $0x5FFFF  }
0xac: {  	[dreg:$0x1] =	wrdreg $0xFFFFFFFF  }
0xad: {  	[dreg:$0x0] =	wrdreg $0x60  }
0xae: {  	[dreg:$0x2] =	wrdreg s2  }
0xaf: {  	[dreg:$0x3] =	wrdreg s24  }
0xb0: {  	[dreg:$0x4] =	wrdreg $0x88000  }
0xb1: {  	[dreg:$0x5] =	wrdreg $0xA  }
0xb2: {  	_ =	task.clear_ibuf [dreg:s7], $0x6FFFF;
	_ =	strace $0x90000046  }
0xb3: {  	s29 =	simm.s32 $0xA;
	_ =	strace $0x80000048  }
0xb4: {  	_ =	swait.ge [sflag:s29], $0x1  }
0xb5: {  	[sflag:s29] =	ssyncadd.s32 $0xFFFFFFFF  }
0xb6: {  	_ =	strace $0x90000048  }
0xb7: {  	_ =	sfence  }
0xb8: {  	s30 =	sld [smem:$0x0];
	_ =	sdelay $0x2  }
0xb9: {  	s31 =	sshll.u32 s1, $0xD;
	s1 =	sshrl.u32 s1, $0x2  }
0xba: {  	s3 =	sand.u32 $0x4000, s31;
	s1 =	sadd.s32 s1, s30  }
0xbb: {  	s0 =	sor.u32 s3, s0;
	s1 =	sshll.u32 s1, $0x11  }
0xbc: {  	s0 =	sor.u32 s1, s0  }
0xbd: {  	s0 =	sadd.s32 $0x8F2B, s0  }
0xbe: {  	[sflag:s0] =	ssyncadd.remote.s32 $0x1  }
0xbf: {  	_ =	sfence.sel $0xFFFF  }
0xc0: {  	[dreg:$0x0] =	wrdreg $0xFFFFFFFF;
	(pc) =	sbr.abs _section_cstart, $3  }
0xc1: {  	[dreg:$0x1] =	wrdreg $0xFFFFFFFF  }
0xc2: {  	_ =	task.clear_ibuf [dreg:s7], $0x2FFFF;
	_ =	strace $0x9FFFFFFF  }
0xc3: {  	(tm) =	ssettm $0x7FFFFFFF  }
tec
execute0_lowered:
.L_overlay_start_1:
0x0: {  	(tag) =	ssettag $0x1  }
0x1: {  	s1 =	rddreg [dreg:$0x0]  }
0x2: {  	s0 =	rddreg [dreg:$0x1]  }
0x3: {  	s2 =	rddreg [dreg:$0x2];
	s4 =	simm.s32 $0x0;
	s3 =	srdreg.scid  }
0x4: {  	s9 =	stileid.u32;
	s12 =	simm.s32 $0x3;
	s13 =	simm.s32 $0x400  }
0x5: {  	s14 =	simm.s32 $0x80;
	s15 =	simm.s32 $0x800;
	s16 =	simm.s32 $0x4800  }
0x6: {  	s17 =	simm.s32 $0x1;
	s18 =	simm.s32 $0x100;
	s19 =	simm.s32 $0x2  }
0x7: {  	s20 =	simm.s32 $0x480;
	s28 =	simm.s32 $0x300;
	s29 =	simm.s32 $0x680  }
0x8: {  	s30 =	simm.s32 $0x380;
	s31 =	simm.s32 $0x700;
	s5 =	smul.u32 $0x98, s9  }
0x9: {  	[smem:$0x7FF] =	sst s4;
	s3 =	sand.u32 $0x1, s3;
	s7 =	smul.u32 $0x2800, s9  }
0xa: {  	s6 =	sshll.u32 s9, $0x3;
	s22 =	smul.u32 $0x50000, s9;
	s23 =	sadd.s32 $0x3FE00, s0  }
0xb: {  	s9 =	sshll.u32 s9, $0x6;
	p0 =	seq.s32 s3, $0x0;
	s6 =	sor.u32 $0x980, s6  }
0xc: {  	s21 =	smul.u32 $0x28000, s3;
	_ =	strace $0x80000047;
	[dreg:$0x4] =	wrdreg s23  }
0xd: {  	s24 =	ssub.s32 $0x2, s3;
	s23 =	simm.s32 $0x200;
	s6 =	smov.u32 @p0 s5  }
0xe: {  	s25 =	sshrl.u32 s24, $0x1;
	p0 =	sne.s32 s3, $0x0;
	s3 =	simm.s32 $0x0  }
0xf: {  	s6 =	sshll.u32 s6, $0x4;
	s5 =	sadd.s32 s7, s21;
	s21 =	simm.s32 $0x180  }
0x10: {  	s8 =	sadd.s32 s6, s0;
	s0 =	sadd.s32 s5, s0;
	s6 =	sshrl.u32 s22, $0x2  }
0x11: {  	s5 =	ssub.s32 s24, s25;
	s22 =	simm.s32 $0x500;
	s24 =	simm.s32 $0x580  }
0x12: {  	s25 =	simm.s32 $0x280;
	s10 =	sadd.s32 s6, s2;
	s0 =	sadd.s32 $0x42600, s0  }
0x13: {  	s6 =	sor.u32 $0x1C03, s9;
	s26 =	smax.u32 s5, $0x1;
	[dreg:$0x5] =	wrdreg s0  }
0x14: {  	s7 =	sadd.s32 $0x4C00, s8;
	s5 =	sadd.s32 $0xEC00, s8;
	[dreg:$0x6] =	wrdreg s26  }
0x15: {  	s11 =	sshrl.u32 s10, $0x3;
	s26 =	simm.s32 $0x600;
	s0 =	simm.s32 $0x780  }
.LBB2_1:
0x16: {  	s8 =	rddreg [dreg:$0x4]  }
0x17: {  	[spmem:s11], [sflag:s6] =	dma.local [hbm:s8], $0x2800  }
0x18: {  	_ =	swait.ge [sflag:s12], $0x2800  }
0x19: {  	[sflag:s12] =	ssyncset.done $0x0  }
0x1a: {  	s10 =	smov.u32 s5;
	[sflag:s12] =	ssyncadd.s32 $0xFFFFD800  }
0x1b: {  	s9 =	smov.u32 s7;
	s8 =	simm.s32 $0x0;
	[bflag:$0x0] =	sbarrier.arrive $0xFFFF  }
.LBB2_2:
0x1c: {  	[tilespmem:s4], [sflag:$0x3] =	stream.linear.gather [hbm4b:s10+s4], $0x400, $0x38;
	[tilespmem:$0x1C800] =	vst v63  }
0x1d: {  	_ =	swait.ge [sflag:s12], $0x400  }
0x1e: {  	[sflag:s12] =	ssyncset.done $0x0  }
0x1f: {  	[sflag:s12] =	ssyncadd.s32 $0xFFFFFC00  }
0x20: {  	[tilespmem:s13], [sflag:$0x3] =	stream.linear.gather [hbm4b:s9+s4], $0x400, $0x38;
	[tilespmem:$0x1C800] =	vst v63  }
0x21: {  	_ =	swait.ge [sflag:s12], $0x400  }
0x22: {  	[sflag:s12] =	ssyncset.done $0x0  }
0x23: {  	[sflag:s12] =	ssyncadd.s32 $0xFFFFFC00  }
0x24: {  	[tilespmem:s15], [sflag:$0x1] =	stream.indirect.gather [hbm4b:s1+s14], $0x80, s4, s14, $0xb8;
	[tilespmem:$0x1C800] =	vst v63  }
0x25: {  	_ = 	snop  }
0x26: {  	[tilespmem:s16], [sflag:$0x2] =	stream.indirect.gather [hbm4b:s1+s14], $0x80, s14, s14, $0xb8;
	[tilespmem:$0x1C800] =	vst v63  }
0x27: {  	_ =	swait.ge [sflag:s17], $0x4000  }
0x28: {  	[sflag:s17] =	ssyncset.done $0x0  }
0x29: {  	[sflag:s17] =	ssyncadd.s32 $0xFFFFC000  }
0x2a: {  	[spmem:s2] =	stream.indirect.scatter.add.f32 [tilespmem:s15], [sflag:$0x3], $0x80, s13, s14, $0xb8;
	[tilespmem:$0x1C800] =	vst v63  }
0x2b: {  	_ =	swait.ge [sflag:s12], $0x4000  }
0x2c: {  	[sflag:s12] =	ssyncset.done $0x0  }
0x2d: {  	[sflag:s12] =	ssyncadd.s32 $0xFFFFC000  }
0x2e: {  	[tilespmem:s15], [sflag:$0x1] =	stream.indirect.gather [hbm4b:s1+s14], $0x80, s18, s14, $0xb8;
	[tilespmem:$0x1C800] =	vst v63  }
0x2f: {  	_ =	swait.ge [sflag:s19], $0x4000  }
0x30: {  	[sflag:s19] =	ssyncset.done $0x0  }
0x31: {  	[sflag:s19] =	ssyncadd.s32 $0xFFFFC000  }
0x32: {  	[spmem:s2] =	stream.indirect.scatter.add.f32 [tilespmem:s16], [sflag:$0x3], $0x80, s20, s14, $0xb8;
	[tilespmem:$0x1C800] =	vst v63  }
0x33: {  	_ =	swait.ge [sflag:s12], $0x4000  }
0x34: {  	[sflag:s12] =	ssyncset.done $0x0  }
0x35: {  	[sflag:s12] =	ssyncadd.s32 $0xFFFFC000  }
0x36: {  	[tilespmem:s16], [sflag:$0x2] =	stream.indirect.gather [hbm4b:s1+s14], $0x80, s21, s14, $0xb8;
	[tilespmem:$0x1C800] =	vst v63  }
0x37: {  	_ =	swait.ge [sflag:s17], $0x4000  }
0x38: {  	[sflag:s17] =	ssyncset.done $0x0  }
0x39: {  	[sflag:s17] =	ssyncadd.s32 $0xFFFFC000  }
0x3a: {  	[spmem:s2] =	stream.indirect.scatter.add.f32 [tilespmem:s15], [sflag:$0x3], $0x80, s22, s14, $0xb8;
	[tilespmem:$0x1C800] =	vst v63  }
0x3b: {  	_ =	swait.ge [sflag:s12], $0x4000  }
0x3c: {  	[sflag:s12] =	ssyncset.done $0x0  }
0x3d: {  	[sflag:s12] =	ssyncadd.s32 $0xFFFFC000  }
0x3e: {  	[tilespmem:s15], [sflag:$0x1] =	stream.indirect.gather [hbm4b:s1+s14], $0x80, s23, s14, $0xb8;
	[tilespmem:$0x1C800] =	vst v63  }
0x3f: {  	_ =	swait.ge [sflag:s19], $0x4000  }
0x40: {  	[sflag:s19] =	ssyncset.done $0x0  }
0x41: {  	[sflag:s19] =	ssyncadd.s32 $0xFFFFC000  }
0x42: {  	[spmem:s2] =	stream.indirect.scatter.add.f32 [tilespmem:s16], [sflag:$0x3], $0x80, s24, s14, $0xb8;
	[tilespmem:$0x1C800] =	vst v63  }
0x43: {  	_ =	swait.ge [sflag:s12], $0x4000  }
0x44: {  	[sflag:s12] =	ssyncset.done $0x0  }
0x45: {  	[sflag:s12] =	ssyncadd.s32 $0xFFFFC000  }
0x46: {  	[tilespmem:s16], [sflag:$0x2] =	stream.indirect.gather [hbm4b:s1+s14], $0x80, s25, s14, $0xb8;
	[tilespmem:$0x1C800] =	vst v63  }
0x47: {  	_ =	swait.ge [sflag:s17], $0x4000  }
0x48: {  	[sflag:s17] =	ssyncset.done $0x0  }
0x49: {  	[sflag:s17] =	ssyncadd.s32 $0xFFFFC000  }
0x4a: {  	[spmem:s2] =	stream.indirect.scatter.add.f32 [tilespmem:s15], [sflag:$0x3], $0x80, s26, s14, $0xb8;
	[tilespmem:$0x1C800] =	vst v63  }
0x4b: {  	_ =	swait.ge [sflag:s12], $0x4000  }
0x4c: {  	[sflag:s12] =	ssyncset.done $0x0  }
0x4d: {  	[sflag:s12] =	ssyncadd.s32 $0xFFFFC000  }
0x4e: {  	[tilespmem:s15], [sflag:$0x1] =	stream.indirect.gather [hbm4b:s1+s14], $0x80, s28, s14, $0xb8;
	[tilespmem:$0x1C800] =	vst v63  }
0x4f: {  	_ =	swait.ge [sflag:s19], $0x4000  }
0x50: {  	[sflag:s19] =	ssyncset.done $0x0  }
0x51: {  	[sflag:s19] =	ssyncadd.s32 $0xFFFFC000  }
0x52: {  	[spmem:s2] =	stream.indirect.scatter.add.f32 [tilespmem:s16], [sflag:$0x3], $0x80, s29, s14, $0xb8;
	[tilespmem:$0x1C800] =	vst v63  }
0x53: {  	_ =	swait.ge [sflag:s12], $0x4000  }
0x54: {  	[sflag:s12] =	ssyncset.done $0x0  }
0x55: {  	[sflag:s12] =	ssyncadd.s32 $0xFFFFC000  }
0x56: {  	[tilespmem:s16], [sflag:$0x2] =	stream.indirect.gather [hbm4b:s1+s14], $0x80, s30, s14, $0xb8;
	[tilespmem:$0x1C800] =	vst v63  }
0x57: {  	_ =	swait.ge [sflag:s17], $0x4000  }
0x58: {  	[sflag:s17] =	ssyncset.done $0x0  }
0x59: {  	[sflag:s17] =	ssyncadd.s32 $0xFFFFC000  }
0x5a: {  	[spmem:s2] =	stream.indirect.scatter.add.f32 [tilespmem:s15], [sflag:$0x3], $0x80, s31, s14, $0xb8;
	[tilespmem:$0x1C800] =	vst v63  }
0x5b: {  	_ =	swait.ge [sflag:s12], $0x4000  }
0x5c: {  	[sflag:s12] =	ssyncset.done $0x0  }
0x5d: {  	[sflag:s12] =	ssyncadd.s32 $0xFFFFC000  }
0x5e: {  	p1 =	slt.u32 @!p0 s8, $0x12;
	_ =	swait.ge [sflag:s19], $0x4000  }
0x5f: {  	p1 =	por p0, !p1;
	[sflag:s19] =	ssyncset.done $0x0  }
.Ltmp0:
0x60: {  	[sflag:s19] =	ssyncadd.s32 $0xFFFFC000;
	(pc) =	sbr.rel @!p1 .LBB2_2-.Ltmp0, $4  }
0x61: {  	[spmem:s2] =	stream.indirect.scatter.add.f32 [tilespmem:s16], [sflag:$0x3], $0x80, s0, s14, $0xb8;
	[tilespmem:$0x1C800] =	vst v63  }
0x62: {  	_ =	swait.ge [sflag:s12], $0x4000  }
0x63: {  	s8 =	sadd.s32 $0x1, s8;
	[sflag:s12] =	ssyncset.done $0x0  }
0x64: {  	s10 =	sadd.s32 $0x80, s10;
	s9 =	sadd.s32 $0x80, s9;
	[sflag:s12] =	ssyncadd.s32 $0xFFFFC000  }
0x65: {  	[bflag:$0x0] =	sbarrier.arrive $0xFFFF  }
0x66: {  	s8 =	rddreg [dreg:$0x5]  }
0x67: {  	[hbm:s8], [sflag:s6] =	dma.local [spmem:s11], $0x2800  }
0x68: {  	_ =	swait.ge [sflag:s12], $0x2800  }
0x69: {  	s3 =	sadd.s32 $0x1, s3;
	s10 =	rddreg [dreg:$0x6]  }
0x6a: {  	p1 =	sne.s32 s3, s10  }
.Ltmp1:
0x6b: {  	_ = 	snop;
	(pc) =	sbr.rel @p1 .LBB2_1-.Ltmp1, $3  }
0x6c: {  	_ =	sdelay $0x1  }
0x6d: {  	[sflag:s12] =	ssyncset.done $0x0  }
0x6e: {  	[sflag:s12] =	ssyncadd.s32 $0xFFFFD800  }
0x6f: {  	_ =	sfence.sel $0x180000  }
0x70: {  	[bflag:$0x0] =	sbarrier.arrive $0xFFFF  }
0x71: {  	_ =	strace $0x90000047  }
0x72: {  	s0 =	stileid.u32;
	[bflag:$0x2] =	sbarrier.arrive $0xFFFF  }
0x73: {  	p0 =	sne.s32 s0, $0x0;
	s0 =	rddreg [dreg:$0x3]  }
0x74: {  	s0 =	sadd.s32 @!p0 $0x100000, s0  }
0x75: {  	[sflag:s0] =	ssyncadd.tile.s32 @!p0 $0x1;
	_ =	shalt  }
.Lfunc_end2:
_tile_overlayer_lowered:
.L_overlay_start_2:
0x76: {  	(tag) =	ssettag $0x2  }
0x77: {  	s0 =	rddreg [dreg:$0x0];
	s2 =	stileid.u32  }
0x78: {  	s1 =	rddreg [dreg:$0x1];
	p0 =	sne.s32 s2, $0x0  }
0x79: {  	s3 =	rddreg [dreg:$0x2];
	[bflag:$0x3] =	sbarrier.arrive $0xFFFF;
	s2 =	simm.s32 @!p0 $0x1C03  }
0x7a: {  	[timem:s3], [sflag:s2] =	dma.local @!p0 [hbm:s0], s1  }
0x7b: {  	s0 =	simm.s32 @!p0 $0x3  }
0x7c: {  	_ =	swait.ge @!p0 [sflag:s0], s1  }
0x7d: {  	s1 =	ssub.s32 @!p0 $0x0, s1;
	[sflag:s0] =	ssyncset.done @!p0 $0x0  }
0x7e: {  	[sflag:s0] =	ssyncadd.s32 @!p0 s1  }
0x7f: {  	[bflag:$0x3] =	sbarrier.arrive $0xFFFF  }
0x80: {  	_ =	shalt  }

// kernel: kernel.15.cloned.1.call-start
scs
__scs_entry_jumppad:
0x0: {  	(pc) =	sbr.rel $0x88, $3  }
0x1: {  	(tag) =	ssettag $0x0;
	lr =	simm.s32 $0x1  }
0x2: {  	[smem:$0x3F88] =	sst lr;
	_ =	strace $0xD0000000  }
0x3: {  	_ = 	snop  }
0x4: {  	_ = 	snop  }
0x5: {  	_ = 	snop  }
0x6: {  	_ = 	snop  }
0x7: {  	_ = 	snop  }
__scs_overlays_trampoline_lowered:
0x8: {  	[smem:$0x3F97] =	sst s0  }
0x9: {  	[smem:$0x3F98] =	sst s1  }
0xa: {  	[smem:$0x3F99] =	sst s2  }
0xb: {  	[smem:$0x3F9A] =	sst s3  }
0xc: {  	[smem:$0x3F9B] =	sst s4  }
0xd: {  	[smem:$0x3F9C] =	sst s5  }
0xe: {  	[smem:$0x3F9D] =	sst s6  }
0xf: {  	[smem:$0x3F9E] =	sst s7  }
0x10: {  	[smem:$0x3F9F] =	sst s8  }
0x11: {  	[smem:$0x3FA0] =	sst s9;
	s0 =	simm.s32 @!p0 $0x0  }
0x12: {  	s1 =	sld [smem:$0x3F86];
	s0 =	simm.s32 @p0 $0x1  }
0x13: {  	[smem:$0x3FA1] =	sst s0;
	s0 =	simm.s32 @!p1 $0x0  }
0x14: {  	s2 =	sld [smem:$0x3F85];
	s0 =	simm.s32 @p1 $0x1  }
0x15: {  	[smem:$0x3FA2] =	sst s0;
	s0 =	simm.s32 @!p2 $0x0  }
0x16: {  	s3 =	sld [smem:$0x3FDB];
	s0 =	simm.s32 @p2 $0x1  }
0x17: {  	s4 =	simm.s32 $0x1BF5;
	[smem:$0x3FA4] =	sst s0  }
0x18: {  	s0 =	sld [smem:$0x3F87];
	_ =	swait.ge [sflag:s4], $0x0  }
0x19: {  	s7 =	sld [smem:$0x3F88]  }
0x1a: {  	s8 =	sadd.s32 $0xFFFFE003, lr  }
0x1b: {  	s9 =	sadd.s32 $0xFFFFFEF7, lr;
	s5 =	simm.s32 $0xFFFFFFFF;
	p2 =	slt.u32 s8, $0xFFFFF086  }
0x1c: {  	p1 =	slt.u32 s9, $0xF7A;
	s5 =	simm.s32 @!p2 $0x0  }
0x1d: {  	s5 =	simm.s32 @p1 $0x1;
	p0 =	seq.s32 s7, s2  }
0x1e: {  	s7 =	smul.u32 @!p0 $0xF7A, s2;
	p2 =	seq.s32 @!p0 s5, $0x0  }
0x1f: {  	s9 =	smul.u32 $0xF7A, s1;
	s8 =	simm.s32 @!p0 $0x1BF5;
	p2 =	por !p2, p0  }
0x20: {  	[sflag:s8] =	ssyncset.s32 @!p0 $0xFFFFF086;
	s6 =	sadd.s32 @!p0 s3, s7;
	s7 =	simm.s32 @!p0 $0x108  }
0x21: {  	s3 =	sadd.s32 s3, s9;
	s6 =	sadd.s32 @!p0 $0x88, s6;
	s7 =	simm.s32 @p2 $0x1082  }
0x22: {  	[simem:s7], [sflag:s8] =	dma.local @!p0 [hbm:s6], $0xF7A  }
0x23: {  	s9 =	sor.u32 $0xD0000000, s2;
	s6 =	simm.s32 $0x108;
	_ =	swait.ge @!p0 [sflag:s8], $0x0  }
0x24: {  	s3 =	sadd.s32 $0x88, s3;
	s6 =	simm.s32 @!p1 $0x1082;
	[sflag:s4] =	ssyncset.s32 $0xFFFFF086  }
0x25: {  	[simem:s6], [sflag:s4] =	dma.local [hbm:s3], $0xF7A  }
0x26: {  	[smem:$0x3F88] =	sst s1;
	(tag) =	ssettag s2;
	_ =	strace s9  }
0x27: {  	s1 =	sld [smem:$0x3F98]  }
0x28: {  	s2 =	sld [smem:$0x3F99]  }
0x29: {  	s4 =	sld [smem:$0x3F9B]  }
0x2a: {  	p0 =	seq.s32 s5, $0x0;
	s5 =	sld [smem:$0x3F9C]  }
0x2b: {  	s6 =	sld [smem:$0x3F9D]  }
0x2c: {  	s7 =	sld [smem:$0x3F9E]  }
0x2d: {  	s3 =	simm.s32 $0x108;
	s8 =	sld [smem:$0x3F9F]  }
0x2e: {  	s3 =	simm.s32 @!p0 $0x1082;
	s9 =	sld [smem:$0x3FA0]  }
0x2f: {  	lr =	sadd.s32 s0, s3;
	s0 =	sld [smem:$0x3F97]  }
0x30: {  	s3 =	sld [smem:$0x3F9A]  }
0x31: {  	[smem:$0x3FA3] =	sst s10  }
0x32: {  	s10 =	sld [smem:$0x3FA1];
	_ =	sdelay $0x3  }
0x33: {  	p0 =	seq.s32 s10, $0x1;
	s10 =	sld [smem:$0x3FA3];
	_ =	sdelay $0x3  }
0x34: {  	[smem:$0x3FA3] =	sst s10  }
0x35: {  	s10 =	sld [smem:$0x3FA2];
	_ =	sdelay $0x3  }
0x36: {  	p1 =	seq.s32 s10, $0x1;
	s10 =	sld [smem:$0x3FA3];
	_ =	sdelay $0x3  }
0x37: {  	[smem:$0x3FA3] =	sst s10  }
0x38: {  	s10 =	sld [smem:$0x3FA4]  }
0x39: {  	_ = 	snop;
	(pc) =	sbr.ind lr, $3  }
0x3a: {  	_ = 	snop  }
0x3b: {  	_ = 	snop  }
0x3c: {  	p2 =	seq.s32 s10, $0x1;
	s10 =	sld [smem:$0x3FA3]  }
0x3d: {  	_ =	shalt  }
0x3e: {  	_ =	shalt  }
0x3f: {  	_ =	shalt  }
0x40: {  	_ =	shalt  }
0x41: {  	_ =	shalt  }
0x42: {  	_ =	shalt  }
0x43: {  	_ =	shalt  }
0x44: {  	_ =	shalt  }
0x45: {  	_ =	shalt  }
0x46: {  	_ =	shalt  }
0x47: {  	_ =	shalt  }
0x48: {  	_ =	shalt  }
0x49: {  	_ =	shalt  }
0x4a: {  	_ =	shalt  }
0x4b: {  	_ =	shalt  }
0x4c: {  	_ =	shalt  }
0x4d: {  	_ =	shalt  }
0x4e: {  	_ =	shalt  }
0x4f: {  	_ =	shalt  }
0x50: {  	_ =	shalt  }
0x51: {  	_ =	shalt  }
0x52: {  	_ =	shalt  }
0x53: {  	_ =	shalt  }
0x54: {  	_ =	shalt  }
0x55: {  	_ =	shalt  }
0x56: {  	_ =	shalt  }
0x57: {  	_ =	shalt  }
0x58: {  	_ =	shalt  }
0x59: {  	_ =	shalt  }
0x5a: {  	_ =	shalt  }
0x5b: {  	_ =	shalt  }
0x5c: {  	_ =	shalt  }
0x5d: {  	_ =	shalt  }
0x5e: {  	_ =	shalt  }
0x5f: {  	_ =	shalt  }
0x60: {  	_ =	shalt  }
0x61: {  	_ =	shalt  }
0x62: {  	_ =	shalt  }
0x63: {  	_ =	shalt  }
0x64: {  	_ =	shalt  }
0x65: {  	_ =	shalt  }
0x66: {  	_ =	shalt  }
0x67: {  	_ =	shalt  }
0x68: {  	_ =	shalt  }
0x69: {  	_ =	shalt  }
0x6a: {  	_ =	shalt  }
0x6b: {  	_ =	shalt  }
0x6c: {  	_ =	shalt  }
0x6d: {  	_ =	shalt  }
0x6e: {  	_ =	shalt  }
0x6f: {  	_ =	shalt  }
0x70: {  	_ =	shalt  }
0x71: {  	_ =	shalt  }
0x72: {  	_ =	shalt  }
0x73: {  	_ =	shalt  }
0x74: {  	_ =	shalt  }
0x75: {  	_ =	shalt  }
0x76: {  	_ =	shalt  }
0x77: {  	_ =	shalt  }
0x78: {  	_ =	shalt  }
0x79: {  	_ =	shalt  }
0x7a: {  	_ =	shalt  }
0x7b: {  	_ =	shalt  }
0x7c: {  	_ =	shalt  }
0x7d: {  	_ =	shalt  }
0x7e: {  	_ =	shalt  }
0x7f: {  	_ =	shalt  }
0x80: {  	_ =	shalt  }
0x81: {  	_ =	shalt  }
0x82: {  	_ =	shalt  }
0x83: {  	_ =	shalt  }
0x84: {  	_ =	shalt  }
0x85: {  	_ =	shalt  }
0x86: {  	_ =	shalt  }
0x87: {  	_ =	shalt  }
.Lfunc_end0:
.L_simem_size_0:
called_computation.2_lowered:
.L_overlay_start_0:
0x88: {  	s2 =	sld [smem:$0x3FD9]  }
0x89: {  	s3 =	sld [smem:$0x3FFE];
	_ =	sdelay $0x1  }
0x8a: {  	s1 =	srdreg.scid  }
0x8b: {  	s0 =	sand.u32 $0x1, s1  }
0x8c: {  	s16 =	sshll.u32 s0, $0xA;
	s2 =	sadd.s32 s3, s2  }
0x8d: {  	s2 =	sadd.s32 s2, s16  }
0x8e: {  	[smem:$0x3FAF] =	sst s2  }
0x8f: {  	_ = 	snop  }
0x90: {  	(tm) =	ssettm $0x1  }
0x91: {  	s17 =	sld [smem:$0x3FFB];
	_ =	sdelay $0x3  }
0x92: {  	_ =	strace s17  }
0x93: {  	s2 =	sld [smem:$0x3FFC];
	_ =	sdelay $0x3  }
0x94: {  	_ =	strace s2  }
0x95: {  	s2 =	sld [smem:$0x3FFD];
	_ =	sdelay $0x3  }
0x96: {  	_ =	strace s2  }
0x97: {  	_ =	strace $0x8FFFFFFF  }
0x98: {  	s18 =	sld [smem:$0x3FDB];
	_ =	sdelay $0x1  }
0x99: {  	s19 =	simm.s32 $_scs_section_size  }
0x9a: {  	s4 =	simm.s32 $_size__tile_overlayer_lowered;
	s5 =	simm.s32 $_tile_overlayer_lowered  }
0x9b: {  	s22 =	simm.s32 $0x1BFF;
	s21 =	sshll.u32 s5, $0x1;
	s2 =	sadd.s32 s19, s18  }
0x9c: {  	s6 =	simm.s32 $0x0;
	s20 =	sshll.u32 s4, $0x1;
	s4 =	sadd.s32 s21, s2  }
0x9d: {  	[timem:s6], [sflag:s22] =	dma.local [hbm:s4], s20  }
0x9e: {  	_ =	swait.ge [sflag:s22], s20  }
0x9f: {  	s3 =	ssub.s32 $0x0, s20;
	[sflag:s22] =	ssyncset.done $0x0  }
0xa0: {  	[sflag:s22] =	ssyncadd.s32 s3;
	_ =	sdelay $0x1  }
0xa1: {  	s23 =	simm.s32 $0x1B8B  }
0xa2: {  	_ =	swait.ge [sflag:s23], $0x1  }
0xa3: {  	[sflag:s23] =	ssyncset.done $0x0  }
0xa4: {  	s25 =	simm.s32 $0x1B8E;
	s24 =	sld [smem:$0x3FFE];
	[sflag:s23] =	ssyncadd.s32 $0xFFFFFFFF  }
0xa5: {  	s26 =	simm.s32 $execute0_lowered;
	[smem:$0x3FD2] =	sst s25  }
0xa6: {  	s4 =	sshll.u32 s26, $0x1;
	_ =	strace $0x8000004C;
	[dreg:$0x1] =	wrdreg $0xFFFFFFFF  }
0xa7: {  	s28 =	simm.s32 $_size_execute0_lowered;
	s2 =	sadd.s32 s2, s4;
	[dreg:$0x0] =	wrdreg $0x0  }
0xa8: {  	s4 =	sshll.u32 s28, $0x1;
	[dreg:$0x2] =	wrdreg s2  }
0xa9: {  	[dreg:$0x3] =	wrdreg s4  }
0xaa: {  	[dreg:$0x4] =	wrdreg $0xC0  }
0xab: {  	_ =	task [dreg:s6], $0x5FFFF  }
0xac: {  	[dreg:$0x1] =	wrdreg $0xFFFFFFFF  }
0xad: {  	[dreg:$0x0] =	wrdreg $0x60  }
0xae: {  	[dreg:$0x2] =	wrdreg s24  }
0xaf: {  	[dreg:$0x3] =	wrdreg $0x88000  }
0xb0: {  	[dreg:$0x4] =	wrdreg $0x9  }
0xb1: {  	_ =	task.clear_ibuf [dreg:s6], $0x5FFFF;
	_ =	strace $0x9000004C  }
0xb2: {  	s29 =	simm.s32 $0x9;
	_ =	strace $0x8000004E  }
0xb3: {  	_ =	swait.ge [sflag:s29], $0x1  }
0xb4: {  	[sflag:s29] =	ssyncadd.s32 $0xFFFFFFFF  }
0xb5: {  	_ =	strace $0x9000004E  }
0xb6: {  	_ =	sfence  }
0xb7: {  	s30 =	sld [smem:$0x0];
	_ =	sdelay $0x2  }
0xb8: {  	s31 =	sshll.u32 s1, $0xD;
	s1 =	sshrl.u32 s1, $0x2  }
0xb9: {  	s3 =	sand.u32 $0x4000, s31;
	s1 =	sadd.s32 s1, s30  }
0xba: {  	s0 =	sor.u32 s3, s0;
	s1 =	sshll.u32 s1, $0x11  }
0xbb: {  	s0 =	sor.u32 s1, s0  }
0xbc: {  	s0 =	sadd.s32 $0x8F2B, s0  }
0xbd: {  	[sflag:s0] =	ssyncadd.remote.s32 $0x1  }
0xbe: {  	_ =	sfence.sel $0xFFFF  }
0xbf: {  	[dreg:$0x0] =	wrdreg $0xFFFFFFFF;
	(pc) =	sbr.abs _section_cstart, $3  }
0xc0: {  	[dreg:$0x1] =	wrdreg $0xFFFFFFFF  }
0xc1: {  	_ =	task.clear_ibuf [dreg:s6], $0x2FFFF;
	_ =	strace $0x9FFFFFFF  }
0xc2: {  	(tm) =	ssettm $0x7FFFFFFF  }
0xc3: {  	_ =	shalt  }
tec
execute0_lowered:
.L_overlay_start_1:
0x0: {  	(tag) =	ssettag $0x1  }
0x1: {  	s0 =	rddreg [dreg:$0x0]  }
0x2: {  	s1 =	rddreg [dreg:$0x1]  }
0x3: {  	s3 =	simm.s32 $0x0;
	s2 =	srdreg.scid;
	s9 =	stileid.u32  }
0x4: {  	s12 =	simm.s32 $0x3;
	s13 =	simm.s32 $0x400;
	s14 =	simm.s32 $0x80  }
0x5: {  	s15 =	simm.s32 $0x800;
	s16 =	simm.s32 $0x4800;
	s17 =	simm.s32 $0x1  }
0x6: {  	s18 =	simm.s32 $0x100;
	s19 =	simm.s32 $0x2;
	s20 =	simm.s32 $0x480  }
0x7: {  	s21 =	simm.s32 $0x180;
	s22 =	simm.s32 $0x500;
	s28 =	simm.s32 $0x300  }
0x8: {  	s29 =	simm.s32 $0x680;
	s30 =	simm.s32 $0x380;
	s4 =	smul.u32 $0x98, s9  }
0x9: {  	s31 =	simm.s32 $0x700;
	[smem:$0x7FF] =	sst s3;
	s6 =	smul.u32 $0x2800, s9  }
0xa: {  	s2 =	sand.u32 $0x1, s2;
	s5 =	sshll.u32 s9, $0x3;
	s23 =	smul.u32 $0x50000, s9  }
0xb: {  	s8 =	sadd.s32 $0x3FE00, s0;
	s9 =	sshll.u32 s9, $0x6;
	p0 =	seq.s32 s2, $0x0  }
0xc: {  	s5 =	sor.u32 $0x980, s5;
	s7 =	smul.u32 $0x28000, s2;
	_ =	strace $0x8000004D  }
0xd: {  	[dreg:$0x3] =	wrdreg s8;
	s24 =	ssub.s32 $0x2, s2;
	s5 =	smov.u32 @p0 s4  }
0xe: {  	s4 =	sadd.s32 $0x69800, s0;
	s25 =	sshrl.u32 s24, $0x1;
	p0 =	sne.s32 s2, $0x0  }
0xf: {  	s2 =	simm.s32 $0x0;
	s5 =	sshll.u32 s5, $0x4;
	s6 =	sadd.s32 s6, s7  }
0x10: {  	s7 =	sshrl.u32 s23, $0x2;
	s8 =	ssub.s32 s24, s25;
	s23 =	simm.s32 $0x200  }
0x11: {  	s24 =	simm.s32 $0x580;
	s25 =	simm.s32 $0x280;
	s5 =	sadd.s32 s5, s0  }
0x12: {  	s0 =	sadd.s32 s6, s0;
	s10 =	sadd.s32 s7, s1;
	s26 =	smax.u32 s8, $0x1  }
0x13: {  	s6 =	sor.u32 $0x1C03, s9;
	s0 =	sadd.s32 $0x90A00, s0;
	[dreg:$0x5] =	wrdreg s26  }
0x14: {  	s7 =	sadd.s32 $0x4C00, s5;
	s5 =	sadd.s32 $0xEC00, s5;
	s11 =	sshrl.u32 s10, $0x3  }
0x15: {  	s26 =	simm.s32 $0x600;
	[dreg:$0x4] =	wrdreg s0;
	s0 =	simm.s32 $0x780  }
.LBB2_1:
0x16: {  	s8 =	rddreg [dreg:$0x3]  }
0x17: {  	[spmem:s11], [sflag:s6] =	dma.local [hbm:s8], $0x2800  }
0x18: {  	_ =	swait.ge [sflag:s12], $0x2800  }
0x19: {  	[sflag:s12] =	ssyncset.done $0x0  }
0x1a: {  	s10 =	smov.u32 s5;
	[sflag:s12] =	ssyncadd.s32 $0xFFFFD800  }
0x1b: {  	s9 =	smov.u32 s7;
	s8 =	simm.s32 $0x0;
	[bflag:$0x0] =	sbarrier.arrive $0xFFFF  }
.LBB2_2:
0x1c: {  	[tilespmem:s3], [sflag:$0x3] =	stream.linear.gather [hbm4b:s10+s3], $0x400, $0x38;
	[tilespmem:$0x1C800] =	vst v63  }
0x1d: {  	_ =	swait.ge [sflag:s12], $0x400  }
0x1e: {  	[sflag:s12] =	ssyncset.done $0x0  }
0x1f: {  	[sflag:s12] =	ssyncadd.s32 $0xFFFFFC00  }
0x20: {  	[tilespmem:s13], [sflag:$0x3] =	stream.linear.gather [hbm4b:s9+s3], $0x400, $0x38;
	[tilespmem:$0x1C800] =	vst v63  }
0x21: {  	_ =	swait.ge [sflag:s12], $0x400  }
0x22: {  	[sflag:s12] =	ssyncset.done $0x0  }
0x23: {  	[sflag:s12] =	ssyncadd.s32 $0xFFFFFC00  }
0x24: {  	[tilespmem:s15], [sflag:$0x1] =	stream.indirect.gather [hbm4b:s4+s14], $0x80, s3, s14, $0xb8;
	[tilespmem:$0x1C800] =	vst v63  }
0x25: {  	_ = 	snop  }
0x26: {  	[tilespmem:s16], [sflag:$0x2] =	stream.indirect.gather [hbm4b:s4+s14], $0x80, s14, s14, $0xb8;
	[tilespmem:$0x1C800] =	vst v63  }
0x27: {  	_ =	swait.ge [sflag:s17], $0x4000  }
0x28: {  	[sflag:s17] =	ssyncset.done $0x0  }
0x29: {  	[sflag:s17] =	ssyncadd.s32 $0xFFFFC000  }
0x2a: {  	[spmem:s1] =	stream.indirect.scatter.add.f32 [tilespmem:s15], [sflag:$0x3], $0x80, s13, s14, $0xb8;
	[tilespmem:$0x1C800] =	vst v63  }
0x2b: {  	_ =	swait.ge [sflag:s12], $0x4000  }
0x2c: {  	[sflag:s12] =	ssyncset.done $0x0  }
0x2d: {  	[sflag:s12] =	ssyncadd.s32 $0xFFFFC000  }
0x2e: {  	[tilespmem:s15], [sflag:$0x1] =	stream.indirect.gather [hbm4b:s4+s14], $0x80, s18, s14, $0xb8;
	[tilespmem:$0x1C800] =	vst v63  }
0x2f: {  	_ =	swait.ge [sflag:s19], $0x4000  }
0x30: {  	[sflag:s19] =	ssyncset.done $0x0  }
0x31: {  	[sflag:s19] =	ssyncadd.s32 $0xFFFFC000  }
0x32: {  	[spmem:s1] =	stream.indirect.scatter.add.f32 [tilespmem:s16], [sflag:$0x3], $0x80, s20, s14, $0xb8;
	[tilespmem:$0x1C800] =	vst v63  }
0x33: {  	_ =	swait.ge [sflag:s12], $0x4000  }
0x34: {  	[sflag:s12] =	ssyncset.done $0x0  }
0x35: {  	[sflag:s12] =	ssyncadd.s32 $0xFFFFC000  }
0x36: {  	[tilespmem:s16], [sflag:$0x2] =	stream.indirect.gather [hbm4b:s4+s14], $0x80, s21, s14, $0xb8;
	[tilespmem:$0x1C800] =	vst v63  }
0x37: {  	_ =	swait.ge [sflag:s17], $0x4000  }
0x38: {  	[sflag:s17] =	ssyncset.done $0x0  }
0x39: {  	[sflag:s17] =	ssyncadd.s32 $0xFFFFC000  }
0x3a: {  	[spmem:s1] =	stream.indirect.scatter.add.f32 [tilespmem:s15], [sflag:$0x3], $0x80, s22, s14, $0xb8;
	[tilespmem:$0x1C800] =	vst v63  }
0x3b: {  	_ =	swait.ge [sflag:s12], $0x4000  }
0x3c: {  	[sflag:s12] =	ssyncset.done $0x0  }
0x3d: {  	[sflag:s12] =	ssyncadd.s32 $0xFFFFC000  }
0x3e: {  	[tilespmem:s15], [sflag:$0x1] =	stream.indirect.gather [hbm4b:s4+s14], $0x80, s23, s14, $0xb8;
	[tilespmem:$0x1C800] =	vst v63  }
0x3f: {  	_ =	swait.ge [sflag:s19], $0x4000  }
0x40: {  	[sflag:s19] =	ssyncset.done $0x0  }
0x41: {  	[sflag:s19] =	ssyncadd.s32 $0xFFFFC000  }
0x42: {  	[spmem:s1] =	stream.indirect.scatter.add.f32 [tilespmem:s16], [sflag:$0x3], $0x80, s24, s14, $0xb8;
	[tilespmem:$0x1C800] =	vst v63  }
0x43: {  	_ =	swait.ge [sflag:s12], $0x4000  }
0x44: {  	[sflag:s12] =	ssyncset.done $0x0  }
0x45: {  	[sflag:s12] =	ssyncadd.s32 $0xFFFFC000  }
0x46: {  	[tilespmem:s16], [sflag:$0x2] =	stream.indirect.gather [hbm4b:s4+s14], $0x80, s25, s14, $0xb8;
	[tilespmem:$0x1C800] =	vst v63  }
0x47: {  	_ =	swait.ge [sflag:s17], $0x4000  }
0x48: {  	[sflag:s17] =	ssyncset.done $0x0  }
0x49: {  	[sflag:s17] =	ssyncadd.s32 $0xFFFFC000  }
0x4a: {  	[spmem:s1] =	stream.indirect.scatter.add.f32 [tilespmem:s15], [sflag:$0x3], $0x80, s26, s14, $0xb8;
	[tilespmem:$0x1C800] =	vst v63  }
0x4b: {  	_ =	swait.ge [sflag:s12], $0x4000  }
0x4c: {  	[sflag:s12] =	ssyncset.done $0x0  }
0x4d: {  	[sflag:s12] =	ssyncadd.s32 $0xFFFFC000  }
0x4e: {  	[tilespmem:s15], [sflag:$0x1] =	stream.indirect.gather [hbm4b:s4+s14], $0x80, s28, s14, $0xb8;
	[tilespmem:$0x1C800] =	vst v63  }
0x4f: {  	_ =	swait.ge [sflag:s19], $0x4000  }
0x50: {  	[sflag:s19] =	ssyncset.done $0x0  }
0x51: {  	[sflag:s19] =	ssyncadd.s32 $0xFFFFC000  }
0x52: {  	[spmem:s1] =	stream.indirect.scatter.add.f32 [tilespmem:s16], [sflag:$0x3], $0x80, s29, s14, $0xb8;
	[tilespmem:$0x1C800] =	vst v63  }
0x53: {  	_ =	swait.ge [sflag:s12], $0x4000  }
0x54: {  	[sflag:s12] =	ssyncset.done $0x0  }
0x55: {  	[sflag:s12] =	ssyncadd.s32 $0xFFFFC000  }
0x56: {  	[tilespmem:s16], [sflag:$0x2] =	stream.indirect.gather [hbm4b:s4+s14], $0x80, s30, s14, $0xb8;
	[tilespmem:$0x1C800] =	vst v63  }
0x57: {  	_ =	swait.ge [sflag:s17], $0x4000  }
0x58: {  	[sflag:s17] =	ssyncset.done $0x0  }
0x59: {  	[sflag:s17] =	ssyncadd.s32 $0xFFFFC000  }
0x5a: {  	[spmem:s1] =	stream.indirect.scatter.add.f32 [tilespmem:s15], [sflag:$0x3], $0x80, s31, s14, $0xb8;
	[tilespmem:$0x1C800] =	vst v63  }
0x5b: {  	_ =	swait.ge [sflag:s12], $0x4000  }
0x5c: {  	[sflag:s12] =	ssyncset.done $0x0  }
0x5d: {  	[sflag:s12] =	ssyncadd.s32 $0xFFFFC000  }
0x5e: {  	p1 =	slt.u32 @!p0 s8, $0x12;
	_ =	swait.ge [sflag:s19], $0x4000  }
0x5f: {  	p1 =	por p0, !p1;
	[sflag:s19] =	ssyncset.done $0x0  }
.Ltmp0:
0x60: {  	[sflag:s19] =	ssyncadd.s32 $0xFFFFC000;
	(pc) =	sbr.rel @!p1 .LBB2_2-.Ltmp0, $4  }
0x61: {  	[spmem:s1] =	stream.indirect.scatter.add.f32 [tilespmem:s16], [sflag:$0x3], $0x80, s0, s14, $0xb8;
	[tilespmem:$0x1C800] =	vst v63  }
0x62: {  	_ =	swait.ge [sflag:s12], $0x4000  }
0x63: {  	s8 =	sadd.s32 $0x1, s8;
	[sflag:s12] =	ssyncset.done $0x0  }
0x64: {  	s10 =	sadd.s32 $0x80, s10;
	s9 =	sadd.s32 $0x80, s9;
	[sflag:s12] =	ssyncadd.s32 $0xFFFFC000  }
0x65: {  	[bflag:$0x0] =	sbarrier.arrive $0xFFFF  }
0x66: {  	s8 =	rddreg [dreg:$0x4]  }
0x67: {  	[hbm:s8], [sflag:s6] =	dma.local [spmem:s11], $0x2800  }
0x68: {  	_ =	swait.ge [sflag:s12], $0x2800  }
0x69: {  	s2 =	sadd.s32 $0x1, s2;
	s10 =	rddreg [dreg:$0x5]  }
0x6a: {  	p1 =	sne.s32 s2, s10  }
.Ltmp1:
0x6b: {  	_ = 	snop;
	(pc) =	sbr.rel @p1 .LBB2_1-.Ltmp1, $3  }
0x6c: {  	_ =	sdelay $0x1  }
0x6d: {  	[sflag:s12] =	ssyncset.done $0x0  }
0x6e: {  	[sflag:s12] =	ssyncadd.s32 $0xFFFFD800  }
0x6f: {  	_ =	sfence.sel $0x180000  }
0x70: {  	[bflag:$0x0] =	sbarrier.arrive $0xFFFF  }
0x71: {  	_ =	strace $0x9000004D  }
0x72: {  	s0 =	stileid.u32;
	[bflag:$0x2] =	sbarrier.arrive $0xFFFF  }
0x73: {  	p0 =	sne.s32 s0, $0x0;
	s0 =	rddreg [dreg:$0x2]  }
0x74: {  	s0 =	sadd.s32 @!p0 $0x100000, s0  }
0x75: {  	[sflag:s0] =	ssyncadd.tile.s32 @!p0 $0x1;
	_ =	shalt  }
.Lfunc_end2:
_tile_overlayer_lowered:
.L_overlay_start_2:
0x76: {  	(tag) =	ssettag $0x2  }
0x77: {  	s0 =	rddreg [dreg:$0x0];
	s2 =	stileid.u32  }
0x78: {  	s1 =	rddreg [dreg:$0x1];
	p0 =	sne.s32 s2, $0x0  }
0x79: {  	s3 =	rddreg [dreg:$0x2];
	[bflag:$0x3] =	sbarrier.arrive $0xFFFF;
	s2 =	simm.s32 @!p0 $0x1C03  }
0x7a: {  	[timem:s3], [sflag:s2] =	dma.local @!p0 [hbm:s0], s1  }
0x7b: {  	s0 =	simm.s32 @!p0 $0x3  }
0x7c: {  	_ =	swait.ge @!p0 [sflag:s0], s1  }
0x7d: {  	s1 =	ssub.s32 @!p0 $0x0, s1;
	[sflag:s0] =	ssyncset.done @!p0 $0x0  }
0x7e: {  	[sflag:s0] =	ssyncadd.s32 @!p0 s1  }
0x7f: {  	[bflag:$0x3] =	sbarrier.arrive $0xFFFF  }
0x80: {  	_ =	shalt  }

// kernel: kernel.9.cloned.1.call-start
scs
__scs_entry_jumppad:
0x0: {  	(pc) =	sbr.rel $0x88, $3  }
0x1: {  	(tag) =	ssettag $0x0;
	lr =	simm.s32 $0x1  }
0x2: {  	[smem:$0x3F88] =	sst lr;
	_ =	strace $0xD0000000  }
0x3: {  	_ = 	snop  }
0x4: {  	_ = 	snop  }
0x5: {  	_ = 	snop  }
0x6: {  	_ = 	snop  }
0x7: {  	_ = 	snop  }
__scs_overlays_trampoline_lowered:
0x8: {  	[smem:$0x3F97] =	sst s0  }
0x9: {  	[smem:$0x3F98] =	sst s1  }
0xa: {  	[smem:$0x3F99] =	sst s2  }
0xb: {  	[smem:$0x3F9A] =	sst s3  }
0xc: {  	[smem:$0x3F9B] =	sst s4  }
0xd: {  	[smem:$0x3F9C] =	sst s5  }
0xe: {  	[smem:$0x3F9D] =	sst s6  }
0xf: {  	[smem:$0x3F9E] =	sst s7  }
0x10: {  	[smem:$0x3F9F] =	sst s8  }
0x11: {  	[smem:$0x3FA0] =	sst s9;
	s0 =	simm.s32 @!p0 $0x0  }
0x12: {  	s1 =	sld [smem:$0x3F86];
	s0 =	simm.s32 @p0 $0x1  }
0x13: {  	[smem:$0x3FA1] =	sst s0;
	s0 =	simm.s32 @!p1 $0x0  }
0x14: {  	s2 =	sld [smem:$0x3F85];
	s0 =	simm.s32 @p1 $0x1  }
0x15: {  	[smem:$0x3FA2] =	sst s0;
	s0 =	simm.s32 @!p2 $0x0  }
0x16: {  	s3 =	sld [smem:$0x3FDB];
	s0 =	simm.s32 @p2 $0x1  }
0x17: {  	s4 =	simm.s32 $0x1BF5;
	[smem:$0x3FA4] =	sst s0  }
0x18: {  	s0 =	sld [smem:$0x3F87];
	_ =	swait.ge [sflag:s4], $0x0  }
0x19: {  	s7 =	sld [smem:$0x3F88]  }
0x1a: {  	s8 =	sadd.s32 $0xFFFFE003, lr  }
0x1b: {  	s9 =	sadd.s32 $0xFFFFFEF7, lr;
	s5 =	simm.s32 $0xFFFFFFFF;
	p2 =	slt.u32 s8, $0xFFFFF086  }
0x1c: {  	p1 =	slt.u32 s9, $0xF7A;
	s5 =	simm.s32 @!p2 $0x0  }
0x1d: {  	s5 =	simm.s32 @p1 $0x1;
	p0 =	seq.s32 s7, s2  }
0x1e: {  	s7 =	smul.u32 @!p0 $0xF7A, s2;
	p2 =	seq.s32 @!p0 s5, $0x0  }
0x1f: {  	s9 =	smul.u32 $0xF7A, s1;
	s8 =	simm.s32 @!p0 $0x1BF5;
	p2 =	por !p2, p0  }
0x20: {  	[sflag:s8] =	ssyncset.s32 @!p0 $0xFFFFF086;
	s6 =	sadd.s32 @!p0 s3, s7;
	s7 =	simm.s32 @!p0 $0x108  }
0x21: {  	s3 =	sadd.s32 s3, s9;
	s6 =	sadd.s32 @!p0 $0x88, s6;
	s7 =	simm.s32 @p2 $0x1082  }
0x22: {  	[simem:s7], [sflag:s8] =	dma.local @!p0 [hbm:s6], $0xF7A  }
0x23: {  	s9 =	sor.u32 $0xD0000000, s2;
	s6 =	simm.s32 $0x108;
	_ =	swait.ge @!p0 [sflag:s8], $0x0  }
0x24: {  	s3 =	sadd.s32 $0x88, s3;
	s6 =	simm.s32 @!p1 $0x1082;
	[sflag:s4] =	ssyncset.s32 $0xFFFFF086  }
0x25: {  	[simem:s6], [sflag:s4] =	dma.local [hbm:s3], $0xF7A  }
0x26: {  	[smem:$0x3F88] =	sst s1;
	(tag) =	ssettag s2;
	_ =	strace s9  }
0x27: {  	s1 =	sld [smem:$0x3F98]  }
0x28: {  	s2 =	sld [smem:$0x3F99]  }
0x29: {  	s4 =	sld [smem:$0x3F9B]  }
0x2a: {  	p0 =	seq.s32 s5, $0x0;
	s5 =	sld [smem:$0x3F9C]  }
0x2b: {  	s6 =	sld [smem:$0x3F9D]  }
0x2c: {  	s7 =	sld [smem:$0x3F9E]  }
0x2d: {  	s3 =	simm.s32 $0x108;
	s8 =	sld [smem:$0x3F9F]  }
0x2e: {  	s3 =	simm.s32 @!p0 $0x1082;
	s9 =	sld [smem:$0x3FA0]  }
0x2f: {  	lr =	sadd.s32 s0, s3;
	s0 =	sld [smem:$0x3F97]  }
0x30: {  	s3 =	sld [smem:$0x3F9A]  }
0x31: {  	[smem:$0x3FA3] =	sst s10  }
0x32: {  	s10 =	sld [smem:$0x3FA1];
	_ =	sdelay $0x3  }
0x33: {  	p0 =	seq.s32 s10, $0x1;
	s10 =	sld [smem:$0x3FA3];
	_ =	sdelay $0x3  }
0x34: {  	[smem:$0x3FA3] =	sst s10  }
0x35: {  	s10 =	sld [smem:$0x3FA2];
	_ =	sdelay $0x3  }
0x36: {  	p1 =	seq.s32 s10, $0x1;
	s10 =	sld [smem:$0x3FA3];
	_ =	sdelay $0x3  }
0x37: {  	[smem:$0x3FA3] =	sst s10  }
0x38: {  	s10 =	sld [smem:$0x3FA4]  }
0x39: {  	_ = 	snop;
	(pc) =	sbr.ind lr, $3  }
0x3a: {  	_ = 	snop  }
0x3b: {  	_ = 	snop  }
0x3c: {  	p2 =	seq.s32 s10, $0x1;
	s10 =	sld [smem:$0x3FA3]  }
0x3d: {  	_ =	shalt  }
0x3e: {  	_ =	shalt  }
0x3f: {  	_ =	shalt  }
0x40: {  	_ =	shalt  }
0x41: {  	_ =	shalt  }
0x42: {  	_ =	shalt  }
0x43: {  	_ =	shalt  }
0x44: {  	_ =	shalt  }
0x45: {  	_ =	shalt  }
0x46: {  	_ =	shalt  }
0x47: {  	_ =	shalt  }
0x48: {  	_ =	shalt  }
0x49: {  	_ =	shalt  }
0x4a: {  	_ =	shalt  }
0x4b: {  	_ =	shalt  }
0x4c: {  	_ =	shalt  }
0x4d: {  	_ =	shalt  }
0x4e: {  	_ =	shalt  }
0x4f: {  	_ =	shalt  }
0x50: {  	_ =	shalt  }
0x51: {  	_ =	shalt  }
0x52: {  	_ =	shalt  }
0x53: {  	_ =	shalt  }
0x54: {  	_ =	shalt  }
0x55: {  	_ =	shalt  }
0x56: {  	_ =	shalt  }
0x57: {  	_ =	shalt  }
0x58: {  	_ =	shalt  }
0x59: {  	_ =	shalt  }
0x5a: {  	_ =	shalt  }
0x5b: {  	_ =	shalt  }
0x5c: {  	_ =	shalt  }
0x5d: {  	_ =	shalt  }
0x5e: {  	_ =	shalt  }
0x5f: {  	_ =	shalt  }
0x60: {  	_ =	shalt  }
0x61: {  	_ =	shalt  }
0x62: {  	_ =	shalt  }
0x63: {  	_ =	shalt  }
0x64: {  	_ =	shalt  }
0x65: {  	_ =	shalt  }
0x66: {  	_ =	shalt  }
0x67: {  	_ =	shalt  }
0x68: {  	_ =	shalt  }
0x69: {  	_ =	shalt  }
0x6a: {  	_ =	shalt  }
0x6b: {  	_ =	shalt  }
0x6c: {  	_ =	shalt  }
0x6d: {  	_ =	shalt  }
0x6e: {  	_ =	shalt  }
0x6f: {  	_ =	shalt  }
0x70: {  	_ =	shalt  }
0x71: {  	_ =	shalt  }
0x72: {  	_ =	shalt  }
0x73: {  	_ =	shalt  }
0x74: {  	_ =	shalt  }
0x75: {  	_ =	shalt  }
0x76: {  	_ =	shalt  }
0x77: {  	_ =	shalt  }
0x78: {  	_ =	shalt  }
0x79: {  	_ =	shalt  }
0x7a: {  	_ =	shalt  }
0x7b: {  	_ =	shalt  }
0x7c: {  	_ =	shalt  }
0x7d: {  	_ =	shalt  }
0x7e: {  	_ =	shalt  }
0x7f: {  	_ =	shalt  }
0x80: {  	_ =	shalt  }
0x81: {  	_ =	shalt  }
0x82: {  	_ =	shalt  }
0x83: {  	_ =	shalt  }
0x84: {  	_ =	shalt  }
0x85: {  	_ =	shalt  }
0x86: {  	_ =	shalt  }
0x87: {  	_ =	shalt  }
.Lfunc_end0:
.L_simem_size_0:
called_computation_lowered:
.L_overlay_start_0:
0x88: {  	s2 =	sld [smem:$0x3FD9]  }
0x89: {  	s3 =	sld [smem:$0x3FFE];
	_ =	sdelay $0x1  }
0x8a: {  	s1 =	srdreg.scid  }
0x8b: {  	s0 =	sand.u32 $0x1, s1  }
0x8c: {  	s17 =	sshll.u32 s0, $0xA;
	s2 =	sadd.s32 s3, s2  }
0x8d: {  	s2 =	sadd.s32 s2, s17  }
0x8e: {  	[smem:$0x3FAF] =	sst s2  }
0x8f: {  	_ = 	snop  }
0x90: {  	(tm) =	ssettm $0x1  }
0x91: {  	s18 =	sld [smem:$0x3FFB];
	_ =	sdelay $0x3  }
0x92: {  	_ =	strace s18  }
0x93: {  	s2 =	sld [smem:$0x3FFC];
	_ =	sdelay $0x3  }
0x94: {  	_ =	strace s2  }
0x95: {  	s2 =	sld [smem:$0x3FFD];
	_ =	sdelay $0x3  }
0x96: {  	_ =	strace s2  }
0x97: {  	_ =	strace $0x8FFFFFFF  }
0x98: {  	s19 =	sld [smem:$0x3FDB];
	_ =	sdelay $0x1  }
0x99: {  	s20 =	simm.s32 $_scs_section_size  }
0x9a: {  	s4 =	simm.s32 $_size__tile_overlayer_lowered;
	s5 =	simm.s32 $_tile_overlayer_lowered  }
0x9b: {  	s6 =	simm.s32 $0x1BFF;
	s21 =	sshll.u32 s5, $0x1;
	s3 =	sadd.s32 s20, s19  }
0x9c: {  	s22 =	simm.s32 $0x0;
	s4 =	sshll.u32 s4, $0x1;
	s5 =	sadd.s32 s21, s3  }
0x9d: {  	[timem:s22], [sflag:s6] =	dma.local [hbm:s5], s4  }
0x9e: {  	_ =	swait.ge [sflag:s6], s4  }
0x9f: {  	s4 =	ssub.s32 $0x0, s4;
	[sflag:s6] =	ssyncset.done $0x0  }
0xa0: {  	[sflag:s6] =	ssyncadd.s32 s4;
	_ =	sdelay $0x1  }
0xa1: {  	s23 =	simm.s32 $0x1B8B  }
0xa2: {  	_ =	swait.ge [sflag:s23], $0x1  }
0xa3: {  	[sflag:s23] =	ssyncset.done $0x0  }
0xa4: {  	[sflag:s23] =	ssyncadd.s32 $0xFFFFFFFF  }
0xa5: {  	s4 =	sld [smem:$0x0]  }
0xa6: {  	s5 =	sand.u32 $0xFFFFFFFE, s1  }
0xa7: {  	p0 =	sne.s32 s1, s5  }
0xa8: {  	s5 =	sshll.u32 @p0 s5, $0xE  }
0xa9: {  	s5 =	sadd.s32 @p0 $0x11B8D, s5;
	s6 =	sshll.u32 @p0 s4, $0x11  }
0xaa: {  	s5 =	sor.u32 @p0 s6, s5  }
0xab: {  	[sflag:s5] =	ssyncadd.remote.s32 @p0 $0x1;
	_ =	sdelay $0x1  }
0xac: {  	s5 =	simm.s32 @p0 $0x1B8D  }
0xad: {  	_ =	swait.eq @p0 [sflag:s5], $0x1  }
0xae: {  	[sflag:s5] =	ssyncadd.s32 @p0 $0xFFFFFFFF  }
0xaf: {  	s6 =	sshll.u32 @!p0 s1, $0xE  }
0xb0: {  	s6 =	sor.u32 @!p0 $0x4000, s6;
	s5 =	simm.s32 @!p0 $0x1B8D  }
0xb1: {  	s4 =	sshll.u32 @!p0 s4, $0x11;
	s6 =	sadd.s32 @!p0 $0x11B8D, s6;
	_ =	swait.eq @!p0 [sflag:s5], $0x1  }
0xb2: {  	s4 =	sor.u32 @!p0 s4, s6;
	[sflag:s5] =	ssyncadd.s32 @!p0 $0xFFFFFFFF  }
0xb3: {  	s25 =	simm.s32 $0x1B8E;
	s24 =	sld [smem:$0x3FFE];
	[sflag:s4] =	ssyncadd.remote.s32 @!p0 $0x1  }
0xb4: {  	s26 =	simm.s32 $execute0_lowered;
	[smem:$0x3FD2] =	sst s25  }
0xb5: {  	s5 =	sshll.u32 s26, $0x1;
	_ =	strace $0x80000049;
	[dreg:$0x1] =	wrdreg $0xFFFFFFFF  }
0xb6: {  	s28 =	simm.s32 $_size_execute0_lowered;
	s3 =	sadd.s32 s3, s5;
	[dreg:$0x0] =	wrdreg $0x0  }
0xb7: {  	s5 =	sshll.u32 s28, $0x1;
	[dreg:$0x2] =	wrdreg s3  }
0xb8: {  	[dreg:$0x3] =	wrdreg s5  }
0xb9: {  	[dreg:$0x4] =	wrdreg $0xC0  }
0xba: {  	_ =	task [dreg:s22], $0x5FFFF  }
0xbb: {  	[dreg:$0x1] =	wrdreg $0xFFFFFFFF  }
0xbc: {  	[dreg:$0x0] =	wrdreg $0x60  }
0xbd: {  	[dreg:$0x2] =	wrdreg s24  }
0xbe: {  	[dreg:$0x3] =	wrdreg $0x68000  }
0xbf: {  	[dreg:$0x4] =	wrdreg $0x9  }
0xc0: {  	_ =	task.clear_ibuf [dreg:s22], $0x5FFFF;
	_ =	strace $0x90000049  }
0xc1: {  	s29 =	simm.s32 $0x9;
	_ =	strace $0x8000004B  }
0xc2: {  	_ =	swait.ge [sflag:s29], $0x1  }
0xc3: {  	[sflag:s29] =	ssyncadd.s32 $0xFFFFFFFF  }
0xc4: {  	_ =	strace $0x9000004B  }
0xc5: {  	_ =	sfence  }
0xc6: {  	s30 =	sld [smem:$0x0];
	_ =	sdelay $0x2  }
0xc7: {  	s31 =	sshll.u32 s1, $0xD;
	s1 =	sshrl.u32 s1, $0x2  }
0xc8: {  	s4 =	sand.u32 $0x4000, s31;
	s1 =	sadd.s32 s1, s30  }
0xc9: {  	s0 =	sor.u32 s4, s0;
	s1 =	sshll.u32 s1, $0x11  }
0xca: {  	s0 =	sor.u32 s1, s0  }
0xcb: {  	s0 =	sadd.s32 $0x8F2B, s0  }
0xcc: {  	[sflag:s0] =	ssyncadd.remote.s32 $0x1  }
0xcd: {  	_ =	sfence.sel $0xFFFF  }
0xce: {  	[dreg:$0x0] =	wrdreg $0xFFFFFFFF;
	(pc) =	sbr.abs _section_cstart, $3  }
0xcf: {  	[dreg:$0x1] =	wrdreg $0xFFFFFFFF  }
0xd0: {  	_ =	task.clear_ibuf [dreg:s22], $0x2FFFF;
	_ =	strace $0x9FFFFFFF  }
0xd1: {  	(tm) =	ssettm $0x7FFFFFFF  }
tec
execute0_lowered:
.L_overlay_start_1:
0x0: {  	(tag) =	ssettag $0x1  }
0x1: {  	s0 =	srdreg.scid;
	s7 =	rddreg [dreg:$0x0]  }
0x2: {  	s2 =	rddreg [dreg:$0x1];
	s6 =	sand.u32 $0x1, s0;
	s0 =	stileid.u32  }
0x3: {  	s3 =	simm.s32 $0x0;
	s13 =	simm.s32 $0x80;
	s8 =	smul.u32 $0x2800, s0  }
0x4: {  	s14 =	simm.s32 $0x0;
	[smem:$0x7FF] =	sst s3;
	s9 =	smul.u32 $0x28000, s6  }
0x5: {  	s5 =	sadd.s32 $0x92600, s7;
	s1 =	sshll.u32 s6, $0x4;
	s11 =	smul.u32 $0x50000, s0  }
0x6: {  	s6 =	ssub.s32 $0x2, s6;
	s31 =	sshll.u32 s0, $0x6;
	s4 =	sor.u32 s0, s1  }
0x7: {  	s1 =	rddreg [dreg:$0x2];
	_ =	strace $0x8000004A;
	s28 =	sshrl.u32 s6, $0x1  }
0x8: {  	s4 =	smul.u32 $0x500, s4;
	s8 =	sadd.s32 s8, s9;
	s29 =	sshrl.u32 s11, $0x2  }
0x9: {  	s30 =	ssub.s32 s6, s28;
	s6 =	sor.u32 $0x1C01, s31;
	s11 =	simm.s32 $0x1  }
0xa: {  	s8 =	sadd.s32 s8, s7;
	s12 =	sadd.s32 s29, s2;
	s9 =	smax.u32 s30, $0x1  }
0xb: {  	s10 =	sadd.s32 s4, s7;
	s4 =	sadd.s32 $0x3FE00, s7;
	s8 =	sadd.s32 $0x92E00, s8  }
0xc: {  	s7 =	sadd.s32 $0x4C00, s10;
	s10 =	sshrl.u32 s12, $0x3;
	s12 =	simm.s32 $0x2800  }
.LBB2_1:
0xd: {  	[spmem:s10], [sflag:s6] =	dma.local [hbm:s4], $0x2800  }
0xe: {  	_ =	swait.ge [sflag:s11], $0x2800  }
0xf: {  	[sflag:s11] =	ssyncset.done $0x0  }
0x10: {  	[sflag:s11] =	ssyncadd.s32 $0xFFFFD800  }
0x11: {  	[tilespmem:s12], [sflag:$0x1] =	stream.linear.gather [hbm4b:s5+s3], $0x4000, $0x38;
	[tilespmem:$0x1A800] =	vst v63  }
0x12: {  	_ =	swait.ge [sflag:s11], $0x4000  }
0x13: {  	[sflag:s11] =	ssyncset.done $0x0  }
0x14: {  	[sflag:s11] =	ssyncadd.s32 $0xFFFFC000  }
0x15: {  	[tilespmem:s3], [sflag:$0x1] =	stream.linear.gather [hbm4b:s7+s3], $0x2800, $0x38;
	[tilespmem:$0x1A800] =	vst v63  }
0x16: {  	_ =	swait.ge [sflag:s11], $0x2800  }
0x17: {  	[sflag:s11] =	ssyncset.done $0x0  }
0x18: {  	[sflag:s11] =	ssyncadd.s32 $0xFFFFD800  }
0x19: {  	s15 =	simm.s32 $0x0;
	[bflag:$0x0] =	sbarrier.arrive $0xFFFF  }
0x1a: {  	[spmem:s2] =	stream.indirect.scatter.add.f32 [tilespmem:s12], [sflag:$0x1], $0x80, s15, s13, $0xb8;
	[tilespmem:$0x1A800] =	vst v63  }
0x1b: {  	_ =	swait.ge [sflag:s11], $0x4000  }
0x1c: {  	s15 =	simm.s32 $0x200;
	[sflag:s11] =	ssyncset.done $0x0  }
.LBB2_2:
0x1d: {  	s16 =	sshra.s32 s15, $0x2;
	[sflag:s11] =	ssyncadd.s32 $0xFFFFC000;
	p0 =	sne.s32 s15, $0x9E00  }
0x1e: {  	[spmem:s2] =	stream.indirect.scatter.add.f32 [tilespmem:s12], [sflag:$0x1], $0x80, s16, s13, $0xb8;
	[tilespmem:$0x1A800] =	vst v63  }
.Ltmp0:
0x1f: {  	_ = 	snop;
	(pc) =	sbr.rel @p0 .LBB2_2-.Ltmp0, $4  }
0x20: {  	_ = 	snop  }
0x21: {  	s15 =	sadd.s32 $0x200, s15  }
0x22: {  	_ =	swait.ge [sflag:s11], $0x4000  }
0x23: {  	[sflag:s11] =	ssyncset.done $0x0  }
0x24: {  	s14 =	sadd.s32 $0x1, s14  }
0x25: {  	[sflag:s11] =	ssyncadd.s32 $0xFFFFC000;
	p0 =	sne.s32 s14, s9  }
.Ltmp1:
0x26: {  	[bflag:$0x0] =	sbarrier.arrive $0xFFFF;
	(pc) =	sbr.rel @p0 .LBB2_1-.Ltmp1, $4  }
0x27: {  	[hbm:s8], [sflag:s6] =	dma.local [spmem:s10], $0x2800  }
0x28: {  	_ =	swait.ge [sflag:s11], $0x2800  }
0x29: {  	[sflag:s11] =	ssyncset.done $0x0  }
0x2a: {  	[sflag:s11] =	ssyncadd.s32 $0xFFFFD800  }
0x2b: {  	_ =	sfence.sel $0x180000  }
0x2c: {  	[bflag:$0x0] =	sbarrier.arrive $0xFFFF  }
0x2d: {  	p0 =	sne.s32 s0, $0x0;
	_ =	strace $0x9000004A  }
0x2e: {  	s0 =	sadd.s32 @!p0 $0x100000, s1;
	[bflag:$0x2] =	sbarrier.arrive $0xFFFF  }
0x2f: {  	[sflag:s0] =	ssyncadd.tile.s32 @!p0 $0x1;
	_ =	shalt  }
.Lfunc_end2:
_tile_overlayer_lowered:
.L_overlay_start_2:
0x30: {  	(tag) =	ssettag $0x2  }
0x31: {  	s0 =	rddreg [dreg:$0x0];
	s2 =	stileid.u32  }
0x32: {  	s1 =	rddreg [dreg:$0x1];
	p0 =	sne.s32 s2, $0x0  }
0x33: {  	s3 =	rddreg [dreg:$0x2];
	[bflag:$0x3] =	sbarrier.arrive $0xFFFF;
	s2 =	simm.s32 @!p0 $0x1C01  }
0x34: {  	[timem:s3], [sflag:s2] =	dma.local @!p0 [hbm:s0], s1  }
0x35: {  	s0 =	simm.s32 @!p0 $0x1  }
0x36: {  	_ =	swait.ge @!p0 [sflag:s0], s1  }
0x37: {  	s1 =	ssub.s32 @!p0 $0x0, s1;
	[sflag:s0] =	ssyncset.done @!p0 $0x0  }
0x38: {  	[sflag:s0] =	ssyncadd.s32 @!p0 s1  }
0x39: {  	[bflag:$0x3] =	sbarrier.arrive $0xFFFF  }
0x3a: {  	_ =	shalt  }

</sc_bundles>
